<compile_context>
chip_gen: v7x
topology: tpu7x:2x2x1
jax: 0.10.2.dev20260603
libtpu: 0.0.44.dev20260713+nightly
codegen_flags: <defaults>
</compile_context>

<pallas_src>
import functools

import jax
import jax.numpy as jnp
from jax import lax
from jax.experimental import pallas as pl
from jax.experimental.pallas import tpu as pltpu
from jax.experimental.pallas import tpu_sc as plsc

_BETA = 0.25
_K = 8192
_C = 32
_N = 16384
_KC = 1024
_NW = 32
_BPW = _N // _NW


def _argmin_body(z_ref, e_ref, idx_ref):
    zb = z_ref[0]
    sq = jnp.sum(zb * zb, axis=0, keepdims=True)
    run_min = jnp.full((1, 1024), jnp.inf, jnp.float32)
    run_idx = jnp.zeros((1, 1024), jnp.int32)
    iota = lax.broadcasted_iota(jnp.int32, (_KC, 1024), 0)
    zbb = zb.astype(jnp.bfloat16)
    for j in range(_K // _KC):
        ej = e_ref[j * _KC:(j + 1) * _KC, :]
        eqj = jnp.sum(ej * ej, axis=1, keepdims=True)
        dims = (((1,), (0,)), ((), ()))
        dot = lax.dot_general(ej.astype(jnp.bfloat16), zbb, dims,
                              preferred_element_type=jnp.float32)
        d2 = (sq + eqj) - 2.0 * dot
        d2m = jnp.maximum(d2, 0.0)
        d = jnp.where(d2m == 0.0, 0.0, d2m * lax.rsqrt(d2m))
        cmin = jnp.min(d, axis=0, keepdims=True)
        cidx = j * _KC + jnp.min(jnp.where(d == cmin, iota, _K),
                                 axis=0, keepdims=True)
        upd = cmin < run_min
        run_min = jnp.where(upd, cmin, run_min)
        run_idx = jnp.where(upd, cidx, run_idx)
    idx_ref[0] = run_idx


@functools.cache
def _make_sc_gather_out():
    mesh = plsc.VectorSubcoreMesh(core_axis_name="c", subcore_axis_name="s")

    @functools.partial(
        pl.kernel,
        mesh=mesh,
        out_type=[
            jax.ShapeDtypeStruct((_N * _C // 128, 128), jnp.float32),
            jax.ShapeDtypeStruct((_NW, 16), jnp.float32),
        ],
        scratch_types=[
            pltpu.VMEM((_BPW // 128, 128), jnp.int32),
            pltpu.VMEM((2, 128, 128), jnp.float32),
            pltpu.VMEM((_BPW * _C // 128, 128), jnp.float32),
            pltpu.VMEM((_BPW * _C // 128, 128), jnp.float32),
            pltpu.VMEM((16,), jnp.float32),
            pltpu.SemaphoreType.DMA,
            pltpu.SemaphoreType.DMA,
        ],
    )
    def _sc_gather_out(e_hbm, idx_hbm, z_hbm, out_hbm, loss_hbm,
                       idx_v, stage_v, z_v, out_v, part_v, sem0, sem1):
        wid = lax.axis_index("s") * 2 + lax.axis_index("c")
        nchunk = _BPW // 128
        zrows = _BPW * _C // 128
        sems = (sem0, sem1)
        pltpu.sync_copy(idx_hbm.at[pl.ds(wid * nchunk, nchunk)], idx_v)
        pltpu.sync_copy(z_hbm.at[pl.ds(wid * zrows, zrows)], z_v)

        def fire(j):
            return pltpu.async_copy(e_hbm.at[idx_v.at[j]],
                                    stage_v.at[j % 2], sems[j % 2])

        qrows = zrows // nchunk
        acc = jnp.zeros((16,), jnp.float32)
        cp = fire(0)
        for j in range(nchunk):
            nxt = fire(j + 1) if j + 1 < nchunk else None
            cp.wait()
            sbuf = stage_v.at[j % 2]

            def body(q, a, j=j, sbuf=sbuf):
                for t in range(8):
                    tok = q * 4 + t // 2
                    e = sbuf[tok, pl.ds((t % 2) * 16, 16)]
                    zv = z_v[j * qrows + q, pl.ds(t * 16, 16)]
                    dd = e - zv
                    out_v[j * qrows + q, pl.ds(t * 16, 16)] = zv - dd
                    a = a + dd * dd
                return a

            acc = lax.fori_loop(0, qrows, body, acc)
            cp = nxt

        pltpu.sync_copy(out_v, out_hbm.at[pl.ds(wid * zrows, zrows)])
        part_v[...] = acc
        pltpu.sync_copy(part_v, loss_hbm.at[wid])

    return _sc_gather_out


def kernel(z, E):
    B, C, H, W = z.shape
    z3 = z.reshape(B, C, H * W)
    idx3 = pl.pallas_call(
        _argmin_body,
        grid=(B,),
        in_specs=[
            pl.BlockSpec((1, C, H * W), lambda b: (b, 0, 0)),
            pl.BlockSpec((_K, _C), lambda b: (0, 0)),
        ],
        out_specs=pl.BlockSpec((1, 1, H * W), lambda b: (b, 0, 0)),
        out_shape=jax.ShapeDtypeStruct((B, 1, H * W), jnp.int32),
    )(z3, E)
    min_d = idx3.reshape(B, H * W)
    idx_rows = idx3.reshape(_N // 128, 128)
    z_flat = z.reshape(_N * _C // 128, 128)
    e_pad = jnp.pad(E, ((0, 0), (0, 128 - _C)))
    out_flat, parts = _make_sc_gather_out()(e_pad, idx_rows, z_flat)
    z_q_out = out_flat.reshape(B, C, H, W)
    m = jnp.sum(parts) / jnp.float32(_N * _C)
    loss = m + _BETA * m
    return (z_q_out, min_d, loss)

# --- scband reference (transcript-rebuilt; emitter-appended) ---
"""Pipeline reference for scband-codebook-9775345565922 (READ-ONLY COPY).

The authoritative reference and input builder live on the scoring server;
editing this copy changes nothing except your own understanding.
"""

import jax, jax.numpy as jnp
import numpy as np

BETA = 0.25
K = 8192
CDIM = 32

def setup_inputs(seed: int = 0) -> dict:
    key = jax.random.key(seed)
    k1, k2 = jax.random.split(key)
    z = jax.random.normal(k1, (16, 32, 32, 32), dtype=jnp.float32)
    # nn.Embedding default init: N(0, 1)
    E = jax.random.normal(k2, (K, CDIM), dtype=jnp.float32)
    return {"z": z, "E": E}

def reference(z, E):
    B, C, H, W = z.shape
    # rearrange 'b c h w -> b (h w) c'
    flat = jnp.transpose(z, (0, 2, 3, 1)).reshape(B, H * W, C)
    # torch.cdist (p=2): Euclidean distance, computed via the matmul expansion
    sq = jnp.sum(flat * flat, axis=-1, keepdims=True)          # [B, HW, 1]
    eq = jnp.sum(E * E, axis=-1)                               # [K]
    d2 = sq + eq[None, None, :] - 2.0 * jnp.einsum('bnc,kc->bnk', flat, E)
    d = jnp.sqrt(jnp.maximum(d2, 0.0))                         # [B, HW, K]
    min_d = jnp.argmin(d, axis=-1)                             # [B, HW] int
    # embedding lookup then RAW view to (B, C, H, W) -- faithful to the
    # original's .view() (a reshape, NOT a transpose back)
    z_q = jnp.take(E, min_d, axis=0).reshape(B, C, H, W)
    commitment_loss = jnp.mean((jax.lax.stop_gradient(z_q) - z) ** 2)
    codebook_loss = jnp.mean((jax.lax.stop_gradient(z) - z_q) ** 2)
    loss = codebook_loss + BETA * commitment_loss
    # faithful to the original: z - (z_q - z).detach()
    z_q_out = z - jax.lax.stop_gradient(z_q - z)
    return (z_q_out, min_d, loss)

if __name__ == "__main__":
    import jax
    _d = setup_inputs()
    print(jax.jit(kernel)(*tuple(_d.values())))

</pallas_src>

<mosaic_0001>
#map = affine_map<(d0, d1) -> (0, 0)>
module attributes {stable_mosaic.version = 14 : i64} {
  func.func @_sc_gather_out(%arg0: i32, %arg1: i32, %arg2: memref<8192x128xf32, #tpu.memory_space<hbm>>, %arg3: memref<128x128xi32, #tpu.memory_space<hbm>>, %arg4: memref<4096x128xf32, #tpu.memory_space<hbm>>, %arg5: memref<4096x128xf32, #tpu.memory_space<hbm>>, %arg6: memref<32x16xf32, #tpu.memory_space<hbm>>, %arg7: memref<4x128xi32, #tpu.memory_space<vmem>>, %arg8: memref<2x128x128xf32, #tpu.memory_space<vmem>>, %arg9: memref<128x128xf32, #tpu.memory_space<vmem>>, %arg10: memref<128x128xf32, #tpu.memory_space<vmem>>, %arg11: memref<16xf32, #tpu.memory_space<vmem>>, %arg12: memref<!tpu.dma_semaphore, #tpu.memory_space<semaphore_mem>>, %arg13: memref<!tpu.dma_semaphore, #tpu.memory_space<semaphore_mem>>) attributes {dimension_semantics = [#tpu.dimension_semantics<core_parallel>, #tpu.dimension_semantics<subcore_parallel>], iteration_bounds = array<i64: 2, 16>, scalar_prefetch = 0 : i64, scratch_operands = 7 : i64, tpu.core_type = #tpu.core_type<sc_vector_subcore>, window_params = [{transform_indices = #map}, {transform_indices = #map}, {transform_indices = #map}, {transform_indices = #map}, {transform_indices = #map}]} {
    %mul3A = arith.constant 2 : i32
    %mul3A_0 = arith.muli %arg1, %mul3A : i32
    %add3A = arith.addi %mul3A_0, %arg0 : i32
    %mul3A_1 = arith.constant 4 : i32
    %mul3A_2 = arith.muli %add3A, %mul3A_1 : i32
    "tpu.region"() ({
      %run_scoped3A = tpu.sem_alloc : memref<!tpu.dma_semaphore, #tpu.memory_space<semaphore_mem>>
      %dma_start3A_132 = arith.constant 0 : i32
      %dma_start3A_133 = tpu.memref_slice %arg3[%mul3A_2, %dma_start3A_132] : memref<128x128xi32, #tpu.memory_space<hbm>> -> memref<4x128xi32, #tpu.memory_space<hbm>>
      %dma_start3A_134 = arith.constant 0 : i32
      %dma_start3A_135 = tpu.memref_slice %arg3[%mul3A_2, %dma_start3A_134] : memref<128x128xi32, #tpu.memory_space<hbm>> -> memref<4x128xi32, #tpu.memory_space<hbm>>
      tpu.enqueue_dma source(%dma_start3A_135 : memref<4x128xi32, #tpu.memory_space<hbm>>) target(%arg7 : memref<4x128xi32, #tpu.memory_space<vmem>>) target_semaphore(%run_scoped3A : memref<!tpu.dma_semaphore, #tpu.memory_space<semaphore_mem>>)
      %dma_wait3A_136 = arith.constant 0 : i32
      %dma_wait3A_137 = tpu.memref_slice %arg3[%mul3A_2, %dma_wait3A_136] : memref<128x128xi32, #tpu.memory_space<hbm>> -> memref<4x128xi32, #tpu.memory_space<hbm>>
      %dma_wait3A_138 = arith.constant 0 : i32
      %dma_wait3A_139 = tpu.memref_slice %arg3[%mul3A_2, %dma_wait3A_138] : memref<128x128xi32, #tpu.memory_space<hbm>> -> memref<4x128xi32, #tpu.memory_space<hbm>>
      tpu.wait_dma2 semaphore(%run_scoped3A : memref<!tpu.dma_semaphore, #tpu.memory_space<semaphore_mem>>) src(%dma_wait3A_139 : memref<4x128xi32, #tpu.memory_space<hbm>>) dst(%arg7 : memref<4x128xi32, #tpu.memory_space<vmem>>)
      tpu.yield
    }) : () -> ()
    %mul3A_3 = arith.constant 128 : i32
    %mul3A_4 = arith.muli %add3A, %mul3A_3 : i32
    "tpu.region"() ({
      %run_scoped3A = tpu.sem_alloc : memref<!tpu.dma_semaphore, #tpu.memory_space<semaphore_mem>>
      %dma_start3A_132 = arith.constant 0 : i32
      %dma_start3A_133 = tpu.memref_slice %arg4[%mul3A_4, %dma_start3A_132] : memref<4096x128xf32, #tpu.memory_space<hbm>> -> memref<128x128xf32, #tpu.memory_space<hbm>>
      %dma_start3A_134 = arith.constant 0 : i32
      %dma_start3A_135 = tpu.memref_slice %arg4[%mul3A_4, %dma_start3A_134] : memref<4096x128xf32, #tpu.memory_space<hbm>> -> memref<128x128xf32, #tpu.memory_space<hbm>>
      tpu.enqueue_dma source(%dma_start3A_135 : memref<128x128xf32, #tpu.memory_space<hbm>>) target(%arg9 : memref<128x128xf32, #tpu.memory_space<vmem>>) target_semaphore(%run_scoped3A : memref<!tpu.dma_semaphore, #tpu.memory_space<semaphore_mem>>)
      %dma_wait3A_136 = arith.constant 0 : i32
      %dma_wait3A_137 = tpu.memref_slice %arg4[%mul3A_4, %dma_wait3A_136] : memref<4096x128xf32, #tpu.memory_space<hbm>> -> memref<128x128xf32, #tpu.memory_space<hbm>>
      %dma_wait3A_138 = arith.constant 0 : i32
      %dma_wait3A_139 = tpu.memref_slice %arg4[%mul3A_4, %dma_wait3A_138] : memref<4096x128xf32, #tpu.memory_space<hbm>> -> memref<128x128xf32, #tpu.memory_space<hbm>>
      tpu.wait_dma2 semaphore(%run_scoped3A : memref<!tpu.dma_semaphore, #tpu.memory_space<semaphore_mem>>) src(%dma_wait3A_139 : memref<128x128xf32, #tpu.memory_space<hbm>>) dst(%arg9 : memref<128x128xf32, #tpu.memory_space<vmem>>)
      tpu.yield
    }) : () -> ()
    %broadcast_in_dim3A = arith.constant 0.000000e+00 : f32
    %broadcast_in_dim3A_5 = vector.broadcast %broadcast_in_dim3A : f32 to vector<16xf32>
    %dma_start3A = arith.constant 0 : i32
    %dma_start3A_6 = arith.constant 0 : i32
    %dma_start3A_7 = arith.constant 0 : i32
    %dma_start3A_8 = arith.constant 0 : i32
    %dma_start3A_9 = tpu.memref_slice %arg8[%dma_start3A_6, %dma_start3A_7, %dma_start3A_8] : memref<2x128x128xf32, #tpu.memory_space<vmem>> -> memref<1x128x128xf32, #tpu.memory_space<vmem>>
    %dma_start3A_10 = tpu.memref_squeeze %dma_start3A_9 : memref<1x128x128xf32, #tpu.memory_space<vmem>> -> memref<128x128xf32, #tpu.memory_space<vmem>>
    %dma_start3A_11 = arith.constant 0 : i32
    %dma_start3A_12 = tpu.memref_slice %arg7[%dma_start3A, %dma_start3A_11] : memref<4x128xi32, #tpu.memory_space<vmem>> -> memref<1x128xi32, #tpu.memory_space<vmem>>
    %dma_start3A_13 = tpu.memref_squeeze %dma_start3A_12 : memref<1x128xi32, #tpu.memory_space<vmem>> -> memref<128xi32, #tpu.memory_space<vmem>>
    %dma_start3A_14 = arith.constant 0 : i32
    %dma_start3A_15 = arith.constant 0 : i32
    %dma_start3A_16 = tpu.memref_slice %arg2[%dma_start3A_14, %dma_start3A_15] : memref<8192x128xf32, #tpu.memory_space<hbm>> -> memref<8192x128xf32, #tpu.memory_space<hbm>>
    tpu.enqueue_indirect_dma source(%dma_start3A_16 : memref<8192x128xf32, #tpu.memory_space<hbm>>) target(%dma_start3A_10 : memref<128x128xf32, #tpu.memory_space<vmem>>) offsets(%dma_start3A_13 : memref<128xi32, #tpu.memory_space<vmem>>) semaphore(%arg12 : memref<!tpu.dma_semaphore, #tpu.memory_space<semaphore_mem>>)
    %dma_start3A_17 = arith.constant 1 : i32
    %dma_start3A_18 = arith.constant 1 : i32
    %dma_start3A_19 = arith.constant 0 : i32
    %dma_start3A_20 = arith.constant 0 : i32
    %dma_start3A_21 = tpu.memref_slice %arg8[%dma_start3A_18, %dma_start3A_19, %dma_start3A_20] : memref<2x128x128xf32, #tpu.memory_space<vmem>> -> memref<1x128x128xf32, #tpu.memory_space<vmem>>
    %dma_start3A_22 = tpu.memref_squeeze %dma_start3A_21 : memref<1x128x128xf32, #tpu.memory_space<vmem>> -> memref<128x128xf32, #tpu.memory_space<vmem>>
    %dma_start3A_23 = arith.constant 0 : i32
    %dma_start3A_24 = tpu.memref_slice %arg7[%dma_start3A_17, %dma_start3A_23] : memref<4x128xi32, #tpu.memory_space<vmem>> -> memref<1x128xi32, #tpu.memory_space<vmem>>
    %dma_start3A_25 = tpu.memref_squeeze %dma_start3A_24 : memref<1x128xi32, #tpu.memory_space<vmem>> -> memref<128xi32, #tpu.memory_space<vmem>>
    %dma_start3A_26 = arith.constant 0 : i32
    %dma_start3A_27 = arith.constant 0 : i32
    %dma_start3A_28 = tpu.memref_slice %arg2[%dma_start3A_26, %dma_start3A_27] : memref<8192x128xf32, #tpu.memory_space<hbm>> -> memref<8192x128xf32, #tpu.memory_space<hbm>>
    tpu.enqueue_indirect_dma source(%dma_start3A_28 : memref<8192x128xf32, #tpu.memory_space<hbm>>) target(%dma_start3A_22 : memref<128x128xf32, #tpu.memory_space<vmem>>) offsets(%dma_start3A_25 : memref<128xi32, #tpu.memory_space<vmem>>) semaphore(%arg13 : memref<!tpu.dma_semaphore, #tpu.memory_space<semaphore_mem>>)
    %dma_wait3A = arith.constant 0 : i32
    %dma_wait3A_29 = arith.constant 0 : i32
    %dma_wait3A_30 = arith.constant 0 : i32
    %dma_wait3A_31 = arith.constant 0 : i32
    %dma_wait3A_32 = tpu.memref_slice %arg8[%dma_wait3A_29, %dma_wait3A_30, %dma_wait3A_31] : memref<2x128x128xf32, #tpu.memory_space<vmem>> -> memref<1x128x128xf32, #tpu.memory_space<vmem>>
    %dma_wait3A_33 = tpu.memref_squeeze %dma_wait3A_32 : memref<1x128x128xf32, #tpu.memory_space<vmem>> -> memref<128x128xf32, #tpu.memory_space<vmem>>
    %dma_wait3A_34 = arith.constant 0 : i32
    %dma_wait3A_35 = tpu.memref_slice %arg7[%dma_wait3A, %dma_wait3A_34] : memref<4x128xi32, #tpu.memory_space<vmem>> -> memref<1x128xi32, #tpu.memory_space<vmem>>
    %dma_wait3A_36 = tpu.memref_squeeze %dma_wait3A_35 : memref<1x128xi32, #tpu.memory_space<vmem>> -> memref<128xi32, #tpu.memory_space<vmem>>
    %dma_wait3A_37 = arith.constant 0 : i32
    %dma_wait3A_38 = arith.constant 0 : i32
    %dma_wait3A_39 = tpu.memref_slice %arg2[%dma_wait3A_37, %dma_wait3A_38] : memref<8192x128xf32, #tpu.memory_space<hbm>> -> memref<8192x128xf32, #tpu.memory_space<hbm>>
    tpu.wait_indirect_dma semaphore(%arg12 : memref<!tpu.dma_semaphore, #tpu.memory_space<semaphore_mem>>) src(%dma_wait3A_39 : memref<8192x128xf32, #tpu.memory_space<hbm>>) dst(%dma_wait3A_33 : memref<128x128xf32, #tpu.memory_space<vmem>>)
    %scan3A = arith.constant 0 : i32
    %scan3A_40 = arith.constant 0 : i32
    %scan3A_41 = arith.constant 32 : i32
    %scan3A_42 = arith.addi %scan3A_40, %scan3A_41 : i32
    %scan3A_43 = arith.constant 1 : i32
    %scan3A_44 = scf.for %scan3A_132 = %scan3A_40 to %scan3A_42 step %scan3A_43 iter_args(%scan3A_133 = %broadcast_in_dim3A_5) -> (vector<16xf32>)  : i32 {
      %mul3A_134 = arith.constant 4 : i32
      %mul3A_135 = arith.muli %scan3A_132, %mul3A_134 : i32
      %add3A_136 = arith.constant 0 : i32
      %add3A_137 = arith.addi %mul3A_135, %add3A_136 : i32
      %get3A = arith.constant 0 : i32
      %get3A_138 = arith.constant 0 : i32
      %get3A_139 = tpu.memref_slice %arg8[%scan3A, %get3A, %get3A_138] : memref<2x128x128xf32, #tpu.memory_space<vmem>> -> memref<1x128x128xf32, #tpu.memory_space<vmem>>
      %get3A_140 = tpu.memref_squeeze %get3A_139 : memref<1x128x128xf32, #tpu.memory_space<vmem>> -> memref<128x128xf32, #tpu.memory_space<vmem>>
      %get3A_141 = arith.index_cast %add3A_137 : i32 to index
      %get3A_142 = arith.constant 0 : index
      %get3A_143 = tpu.vector_load %get3A_140[%get3A_141, %get3A_142] {strides = array<i32>} : memref<128x128xf32, #tpu.memory_space<vmem>>, vector<1x16xf32>,
      %get3A_144 = vector.shape_cast %get3A_143 : vector<1x16xf32> to vector<16xf32>
      %add3A_145 = arith.constant 0 : i32
      %add3A_146 = arith.addi %add3A_145, %scan3A_132 : i32
      %get3A_147 = arith.index_cast %add3A_146 : i32 to index
      %get3A_148 = arith.constant 0 : index
      %get3A_149 = tpu.vector_load %arg9[%get3A_147, %get3A_148] {strides = array<i32>} : memref<128x128xf32, #tpu.memory_space<vmem>>, vector<1x16xf32>,
      %get3A_150 = vector.shape_cast %get3A_149 : vector<1x16xf32> to vector<16xf32>
      %sub3A = arith.subf %get3A_144, %get3A_150 : vector<16xf32>
      %sub3A_151 = arith.subf %get3A_150, %sub3A : vector<16xf32>
      %add3A_152 = arith.constant 0 : i32
      %add3A_153 = arith.addi %add3A_152, %scan3A_132 : i32
      %swap3A_154 = arith.index_cast %add3A_153 : i32 to index
      %swap3A_155 = arith.constant 0 : index
      %swap3A_156 = tpu.vector_load %arg10[%swap3A_154, %swap3A_155] {strides = array<i32>} : memref<128x128xf32, #tpu.memory_space<vmem>>, vector<1x16xf32>,
      %swap3A_157 = vector.shape_cast %swap3A_156 : vector<1x16xf32> to vector<16xf32>
      %swap3A_158 = vector.shape_cast %sub3A_151 : vector<16xf32> to vector<1x16xf32>
      tpu.vector_store %arg10[%swap3A_154, %swap3A_155], %swap3A_158 {strides = array<i32>} : memref<128x128xf32, #tpu.memory_space<vmem>>, vector<1x16xf32>,
      %mul3A_159 = arith.mulf %sub3A, %sub3A : vector<16xf32>
      %add3A_160 = arith.addf %scan3A_133, %mul3A_159 : vector<16xf32>
      %mul3A_161 = arith.constant 4 : i32
      %mul3A_162 = arith.muli %scan3A_132, %mul3A_161 : i32
      %add3A_163 = arith.constant 0 : i32
      %add3A_164 = arith.addi %mul3A_162, %add3A_163 : i32
      %get3A_165 = arith.constant 0 : i32
      %get3A_166 = arith.constant 0 : i32
      %get3A_167 = tpu.memref_slice %arg8[%scan3A, %get3A_165, %get3A_166] : memref<2x128x128xf32, #tpu.memory_space<vmem>> -> memref<1x128x128xf32, #tpu.memory_space<vmem>>
      %get3A_168 = tpu.memref_squeeze %get3A_167 : memref<1x128x128xf32, #tpu.memory_space<vmem>> -> memref<128x128xf32, #tpu.memory_space<vmem>>
      %get3A_169 = arith.index_cast %add3A_164 : i32 to index
      %get3A_170 = arith.constant 16 : index
      %get3A_171 = tpu.vector_load %get3A_168[%get3A_169, %get3A_170] {strides = array<i32>} : memref<128x128xf32, #tpu.memory_space<vmem>>, vector<1x16xf32>,
      %get3A_172 = vector.shape_cast %get3A_171 : vector<1x16xf32> to vector<16xf32>
      %add3A_173 = arith.constant 0 : i32
      %add3A_174 = arith.addi %add3A_173, %scan3A_132 : i32
      %get3A_175 = arith.index_cast %add3A_174 : i32 to index
      %get3A_176 = arith.constant 16 : index
      %get3A_177 = tpu.vector_load %arg9[%get3A_175, %get3A_176] {strides = array<i32>} : memref<128x128xf32, #tpu.memory_space<vmem>>, vector<1x16xf32>,
      %get3A_178 = vector.shape_cast %get3A_177 : vector<1x16xf32> to vector<16xf32>
      %sub3A_179 = arith.subf %get3A_172, %get3A_178 : vector<16xf32>
      %sub3A_180 = arith.subf %get3A_178, %sub3A_179 : vector<16xf32>
      %add3A_181 = arith.constant 0 : i32
      %add3A_182 = arith.addi %add3A_181, %scan3A_132 : i32
      %swap3A_183 = arith.index_cast %add3A_182 : i32 to index
      %swap3A_184 = arith.constant 16 : index
      %swap3A_185 = tpu.vector_load %arg10[%swap3A_183, %swap3A_184] {strides = array<i32>} : memref<128x128xf32, #tpu.memory_space<vmem>>, vector<1x16xf32>,
      %swap3A_186 = vector.shape_cast %swap3A_185 : vector<1x16xf32> to vector<16xf32>
      %swap3A_187 = vector.shape_cast %sub3A_180 : vector<16xf32> to vector<1x16xf32>
      tpu.vector_store %arg10[%swap3A_183, %swap3A_184], %swap3A_187 {strides = array<i32>} : memref<128x128xf32, #tpu.memory_space<vmem>>, vector<1x16xf32>,
      %mul3A_188 = arith.mulf %sub3A_179, %sub3A_179 : vector<16xf32>
      %add3A_189 = arith.addf %add3A_160, %mul3A_188 : vector<16xf32>
      %mul3A_190 = arith.constant 4 : i32
      %mul3A_191 = arith.muli %scan3A_132, %mul3A_190 : i32
      %add3A_192 = arith.constant 1 : i32
      %add3A_193 = arith.addi %mul3A_191, %add3A_192 : i32
      %get3A_194 = arith.constant 0 : i32
      %get3A_195 = arith.constant 0 : i32
      %get3A_196 = tpu.memref_slice %arg8[%scan3A, %get3A_194, %get3A_195] : memref<2x128x128xf32, #tpu.memory_space<vmem>> -> memref<1x128x128xf32, #tpu.memory_space<vmem>>
      %get3A_197 = tpu.memref_squeeze %get3A_196 : memref<1x128x128xf32, #tpu.memory_space<vmem>> -> memref<128x128xf32, #tpu.memory_space<vmem>>
      %get3A_198 = arith.index_cast %add3A_193 : i32 to index
      %get3A_199 = arith.constant 0 : index
      %get3A_200 = tpu.vector_load %get3A_197[%get3A_198, %get3A_199] {strides = array<i32>} : memref<128x128xf32, #tpu.memory_space<vmem>>, vector<1x16xf32>,
      %get3A_201 = vector.shape_cast %get3A_200 : vector<1x16xf32> to vector<16xf32>
      %add3A_202 = arith.constant 0 : i32
      %add3A_203 = arith.addi %add3A_202, %scan3A_132 : i32
      %get3A_204 = arith.index_cast %add3A_203 : i32 to index
      %get3A_205 = arith.constant 32 : index
      %get3A_206 = tpu.vector_load %arg9[%get3A_204, %get3A_205] {strides = array<i32>} : memref<128x128xf32, #tpu.memory_space<vmem>>, vector<1x16xf32>,
      %get3A_207 = vector.shape_cast %get3A_206 : vector<1x16xf32> to vector<16xf32>
      %sub3A_208 = arith.subf %get3A_201, %get3A_207 : vector<16xf32>
      %sub3A_209 = arith.subf %get3A_207, %sub3A_208 : vector<16xf32>
      %add3A_210 = arith.constant 0 : i32
      %add3A_211 = arith.addi %add3A_210, %scan3A_132 : i32
      %swap3A_212 = arith.index_cast %add3A_211 : i32 to index
      %swap3A_213 = arith.constant 32 : index
      %swap3A_214 = tpu.vector_load %arg10[%swap3A_212, %swap3A_213] {strides = array<i32>} : memref<128x128xf32, #tpu.memory_space<vmem>>, vector<1x16xf32>,
      %swap3A_215 = vector.shape_cast %swap3A_214 : vector<1x16xf32> to vector<16xf32>
      %swap3A_216 = vector.shape_cast %sub3A_209 : vector<16xf32> to vector<1x16xf32>
      tpu.vector_store %arg10[%swap3A_212, %swap3A_213], %swap3A_216 {strides = array<i32>} : memref<128x128xf32, #tpu.memory_space<vmem>>, vector<1x16xf32>,
      %mul3A_217 = arith.mulf %sub3A_208, %sub3A_208 : vector<16xf32>
      %add3A_218 = arith.addf %add3A_189, %mul3A_217 : vector<16xf32>
      %mul3A_219 = arith.constant 4 : i32
      %mul3A_220 = arith.muli %scan3A_132, %mul3A_219 : i32
      %add3A_221 = arith.constant 1 : i32
      %add3A_222 = arith.addi %mul3A_220, %add3A_221 : i32
      %get3A_223 = arith.constant 0 : i32
      %get3A_224 = arith.constant 0 : i32
      %get3A_225 = tpu.memref_slice %arg8[%scan3A, %get3A_223, %get3A_224] : memref<2x128x128xf32, #tpu.memory_space<vmem>> -> memref<1x128x128xf32, #tpu.memory_space<vmem>>
      %get3A_226 = tpu.memref_squeeze %get3A_225 : memref<1x128x128xf32, #tpu.memory_space<vmem>> -> memref<128x128xf32, #tpu.memory_space<vmem>>
      %get3A_227 = arith.index_cast %add3A_222 : i32 to index
      %get3A_228 = arith.constant 16 : index
      %get3A_229 = tpu.vector_load %get3A_226[%get3A_227, %get3A_228] {strides = array<i32>} : memref<128x128xf32, #tpu.memory_space<vmem>>, vector<1x16xf32>,
      %get3A_230 = vector.shape_cast %get3A_229 : vector<1x16xf32> to vector<16xf32>
      %add3A_231 = arith.constant 0 : i32
      %add3A_232 = arith.addi %add3A_231, %scan3A_132 : i32
      %get3A_233 = arith.index_cast %add3A_232 : i32 to index
      %get3A_234 = arith.constant 48 : index
      %get3A_235 = tpu.vector_load %arg9[%get3A_233, %get3A_234] {strides = array<i32>} : memref<128x128xf32, #tpu.memory_space<vmem>>, vector<1x16xf32>,
      %get3A_236 = vector.shape_cast %get3A_235 : vector<1x16xf32> to vector<16xf32>
      %sub3A_237 = arith.subf %get3A_230, %get3A_236 : vector<16xf32>
      %sub3A_238 = arith.subf %get3A_236, %sub3A_237 : vector<16xf32>
      %add3A_239 = arith.constant 0 : i32
      %add3A_240 = arith.addi %add3A_239, %scan3A_132 : i32
      %swap3A_241 = arith.index_cast %add3A_240 : i32 to index
      %swap3A_242 = arith.constant 48 : index
      %swap3A_243 = tpu.vector_load %arg10[%swap3A_241, %swap3A_242] {strides = array<i32>} : memref<128x128xf32, #tpu.memory_space<vmem>>, vector<1x16xf32>,
      %swap3A_244 = vector.shape_cast %swap3A_243 : vector<1x16xf32> to vector<16xf32>
      %swap3A_245 = vector.shape_cast %sub3A_238 : vector<16xf32> to vector<1x16xf32>
      tpu.vector_store %arg10[%swap3A_241, %swap3A_242], %swap3A_245 {strides = array<i32>} : memref<128x128xf32, #tpu.memory_space<vmem>>, vector<1x16xf32>,
      %mul3A_246 = arith.mulf %sub3A_237, %sub3A_237 : vector<16xf32>
      %add3A_247 = arith.addf %add3A_218, %mul3A_246 : vector<16xf32>
      %mul3A_248 = arith.constant 4 : i32
      %mul3A_249 = arith.muli %scan3A_132, %mul3A_248 : i32
      %add3A_250 = arith.constant 2 : i32
      %add3A_251 = arith.addi %mul3A_249, %add3A_250 : i32
      %get3A_252 = arith.constant 0 : i32
      %get3A_253 = arith.constant 0 : i32
      %get3A_254 = tpu.memref_slice %arg8[%scan3A, %get3A_252, %get3A_253] : memref<2x128x128xf32, #tpu.memory_space<vmem>> -> memref<1x128x128xf32, #tpu.memory_space<vmem>>
      %get3A_255 = tpu.memref_squeeze %get3A_254 : memref<1x128x128xf32, #tpu.memory_space<vmem>> -> memref<128x128xf32, #tpu.memory_space<vmem>>
      %get3A_256 = arith.index_cast %add3A_251 : i32 to index
      %get3A_257 = arith.constant 0 : index
      %get3A_258 = tpu.vector_load %get3A_255[%get3A_256, %get3A_257] {strides = array<i32>} : memref<128x128xf32, #tpu.memory_space<vmem>>, vector<1x16xf32>,
      %get3A_259 = vector.shape_cast %get3A_258 : vector<1x16xf32> to vector<16xf32>
      %add3A_260 = arith.constant 0 : i32
      %add3A_261 = arith.addi %add3A_260, %scan3A_132 : i32
      %get3A_262 = arith.index_cast %add3A_261 : i32 to index
      %get3A_263 = arith.constant 64 : index
      %get3A_264 = tpu.vector_load %arg9[%get3A_262, %get3A_263] {strides = array<i32>} : memref<128x128xf32, #tpu.memory_space<vmem>>, vector<1x16xf32>,
      %get3A_265 = vector.shape_cast %get3A_264 : vector<1x16xf32> to vector<16xf32>
      %sub3A_266 = arith.subf %get3A_259, %get3A_265 : vector<16xf32>
      %sub3A_267 = arith.subf %get3A_265, %sub3A_266 : vector<16xf32>
      %add3A_268 = arith.constant 0 : i32
      %add3A_269 = arith.addi %add3A_268, %scan3A_132 : i32
      %swap3A_270 = arith.index_cast %add3A_269 : i32 to index
      %swap3A_271 = arith.constant 64 : index
      %swap3A_272 = tpu.vector_load %arg10[%swap3A_270, %swap3A_271] {strides = array<i32>} : memref<128x128xf32, #tpu.memory_space<vmem>>, vector<1x16xf32>,
      %swap3A_273 = vector.shape_cast %swap3A_272 : vector<1x16xf32> to vector<16xf32>
      %swap3A_274 = vector.shape_cast %sub3A_267 : vector<16xf32> to vector<1x16xf32>
      tpu.vector_store %arg10[%swap3A_270, %swap3A_271], %swap3A_274 {strides = array<i32>} : memref<128x128xf32, #tpu.memory_space<vmem>>, vector<1x16xf32>,
      %mul3A_275 = arith.mulf %sub3A_266, %sub3A_266 : vector<16xf32>
      %add3A_276 = arith.addf %add3A_247, %mul3A_275 : vector<16xf32>
      %mul3A_277 = arith.constant 4 : i32
      %mul3A_278 = arith.muli %scan3A_132, %mul3A_277 : i32
      %add3A_279 = arith.constant 2 : i32
      %add3A_280 = arith.addi %mul3A_278, %add3A_279 : i32
      %get3A_281 = arith.constant 0 : i32
      %get3A_282 = arith.constant 0 : i32
      %get3A_283 = tpu.memref_slice %arg8[%scan3A, %get3A_281, %get3A_282] : memref<2x128x128xf32, #tpu.memory_space<vmem>> -> memref<1x128x128xf32, #tpu.memory_space<vmem>>
      %get3A_284 = tpu.memref_squeeze %get3A_283 : memref<1x128x128xf32, #tpu.memory_space<vmem>> -> memref<128x128xf32, #tpu.memory_space<vmem>>
      %get3A_285 = arith.index_cast %add3A_280 : i32 to index
      %get3A_286 = arith.constant 16 : index
      %get3A_287 = tpu.vector_load %get3A_284[%get3A_285, %get3A_286] {strides = array<i32>} : memref<128x128xf32, #tpu.memory_space<vmem>>, vector<1x16xf32>,
      %get3A_288 = vector.shape_cast %get3A_287 : vector<1x16xf32> to vector<16xf32>
      %add3A_289 = arith.constant 0 : i32
      %add3A_290 = arith.addi %add3A_289, %scan3A_132 : i32
      %get3A_291 = arith.index_cast %add3A_290 : i32 to index
      %get3A_292 = arith.constant 80 : index
      %get3A_293 = tpu.vector_load %arg9[%get3A_291, %get3A_292] {strides = array<i32>} : memref<128x128xf32, #tpu.memory_space<vmem>>, vector<1x16xf32>,
      %get3A_294 = vector.shape_cast %get3A_293 : vector<1x16xf32> to vector<16xf32>
      %sub3A_295 = arith.subf %get3A_288, %get3A_294 : vector<16xf32>
      %sub3A_296 = arith.subf %get3A_294, %sub3A_295 : vector<16xf32>
      %add3A_297 = arith.constant 0 : i32
      %add3A_298 = arith.addi %add3A_297, %scan3A_132 : i32
      %swap3A_299 = arith.index_cast %add3A_298 : i32 to index
      %swap3A_300 = arith.constant 80 : index
      %swap3A_301 = tpu.vector_load %arg10[%swap3A_299, %swap3A_300] {strides = array<i32>} : memref<128x128xf32, #tpu.memory_space<vmem>>, vector<1x16xf32>,
      %swap3A_302 = vector.shape_cast %swap3A_301 : vector<1x16xf32> to vector<16xf32>
      %swap3A_303 = vector.shape_cast %sub3A_296 : vector<16xf32> to vector<1x16xf32>
      tpu.vector_store %arg10[%swap3A_299, %swap3A_300], %swap3A_303 {strides = array<i32>} : memref<128x128xf32, #tpu.memory_space<vmem>>, vector<1x16xf32>,
      %mul3A_304 = arith.mulf %sub3A_295, %sub3A_295 : vector<16xf32>
      %add3A_305 = arith.addf %add3A_276, %mul3A_304 : vector<16xf32>
      %mul3A_306 = arith.constant 4 : i32
      %mul3A_307 = arith.muli %scan3A_132, %mul3A_306 : i32
      %add3A_308 = arith.constant 3 : i32
      %add3A_309 = arith.addi %mul3A_307, %add3A_308 : i32
      %get3A_310 = arith.constant 0 : i32
      %get3A_311 = arith.constant 0 : i32
      %get3A_312 = tpu.memref_slice %arg8[%scan3A, %get3A_310, %get3A_311] : memref<2x128x128xf32, #tpu.memory_space<vmem>> -> memref<1x128x128xf32, #tpu.memory_space<vmem>>
      %get3A_313 = tpu.memref_squeeze %get3A_312 : memref<1x128x128xf32, #tpu.memory_space<vmem>> -> memref<128x128xf32, #tpu.memory_space<vmem>>
      %get3A_314 = arith.index_cast %add3A_309 : i32 to index
      %get3A_315 = arith.constant 0 : index
      %get3A_316 = tpu.vector_load %get3A_313[%get3A_314, %get3A_315] {strides = array<i32>} : memref<128x128xf32, #tpu.memory_space<vmem>>, vector<1x16xf32>,
      %get3A_317 = vector.shape_cast %get3A_316 : vector<1x16xf32> to vector<16xf32>
      %add3A_318 = arith.constant 0 : i32
      %add3A_319 = arith.addi %add3A_318, %scan3A_132 : i32
      %get3A_320 = arith.index_cast %add3A_319 : i32 to index
      %get3A_321 = arith.constant 96 : index
      %get3A_322 = tpu.vector_load %arg9[%get3A_320, %get3A_321] {strides = array<i32>} : memref<128x128xf32, #tpu.memory_space<vmem>>, vector<1x16xf32>,
      %get3A_323 = vector.shape_cast %get3A_322 : vector<1x16xf32> to vector<16xf32>
      %sub3A_324 = arith.subf %get3A_317, %get3A_323 : vector<16xf32>
      %sub3A_325 = arith.subf %get3A_323, %sub3A_324 : vector<16xf32>
      %add3A_326 = arith.constant 0 : i32
      %add3A_327 = arith.addi %add3A_326, %scan3A_132 : i32
      %swap3A_328 = arith.index_cast %add3A_327 : i32 to index
      %swap3A_329 = arith.constant 96 : index
      %swap3A_330 = tpu.vector_load %arg10[%swap3A_328, %swap3A_329] {strides = array<i32>} : memref<128x128xf32, #tpu.memory_space<vmem>>, vector<1x16xf32>,
      %swap3A_331 = vector.shape_cast %swap3A_330 : vector<1x16xf32> to vector<16xf32>
      %swap3A_332 = vector.shape_cast %sub3A_325 : vector<16xf32> to vector<1x16xf32>
      tpu.vector_store %arg10[%swap3A_328, %swap3A_329], %swap3A_332 {strides = array<i32>} : memref<128x128xf32, #tpu.memory_space<vmem>>, vector<1x16xf32>,
      %mul3A_333 = arith.mulf %sub3A_324, %sub3A_324 : vector<16xf32>
      %add3A_334 = arith.addf %add3A_305, %mul3A_333 : vector<16xf32>
      %mul3A_335 = arith.constant 4 : i32
      %mul3A_336 = arith.muli %scan3A_132, %mul3A_335 : i32
      %add3A_337 = arith.constant 3 : i32
      %add3A_338 = arith.addi %mul3A_336, %add3A_337 : i32
      %get3A_339 = arith.constant 0 : i32
      %get3A_340 = arith.constant 0 : i32
      %get3A_341 = tpu.memref_slice %arg8[%scan3A, %get3A_339, %get3A_340] : memref<2x128x128xf32, #tpu.memory_space<vmem>> -> memref<1x128x128xf32, #tpu.memory_space<vmem>>
      %get3A_342 = tpu.memref_squeeze %get3A_341 : memref<1x128x128xf32, #tpu.memory_space<vmem>> -> memref<128x128xf32, #tpu.memory_space<vmem>>
      %get3A_343 = arith.index_cast %add3A_338 : i32 to index
      %get3A_344 = arith.constant 16 : index
      %get3A_345 = tpu.vector_load %get3A_342[%get3A_343, %get3A_344] {strides = array<i32>} : memref<128x128xf32, #tpu.memory_space<vmem>>, vector<1x16xf32>,
      %get3A_346 = vector.shape_cast %get3A_345 : vector<1x16xf32> to vector<16xf32>
      %add3A_347 = arith.constant 0 : i32
      %add3A_348 = arith.addi %add3A_347, %scan3A_132 : i32
      %get3A_349 = arith.index_cast %add3A_348 : i32 to index
      %get3A_350 = arith.constant 112 : index
      %get3A_351 = tpu.vector_load %arg9[%get3A_349, %get3A_350] {strides = array<i32>} : memref<128x128xf32, #tpu.memory_space<vmem>>, vector<1x16xf32>,
      %get3A_352 = vector.shape_cast %get3A_351 : vector<1x16xf32> to vector<16xf32>
      %sub3A_353 = arith.subf %get3A_346, %get3A_352 : vector<16xf32>
      %sub3A_354 = arith.subf %get3A_352, %sub3A_353 : vector<16xf32>
      %add3A_355 = arith.constant 0 : i32
      %add3A_356 = arith.addi %add3A_355, %scan3A_132 : i32
      %swap3A_357 = arith.index_cast %add3A_356 : i32 to index
      %swap3A_358 = arith.constant 112 : index
      %swap3A_359 = tpu.vector_load %arg10[%swap3A_357, %swap3A_358] {strides = array<i32>} : memref<128x128xf32, #tpu.memory_space<vmem>>, vector<1x16xf32>,
      %swap3A_360 = vector.shape_cast %swap3A_359 : vector<1x16xf32> to vector<16xf32>
      %swap3A_361 = vector.shape_cast %sub3A_354 : vector<16xf32> to vector<1x16xf32>
      tpu.vector_store %arg10[%swap3A_357, %swap3A_358], %swap3A_361 {strides = array<i32>} : memref<128x128xf32, #tpu.memory_space<vmem>>, vector<1x16xf32>,
      %mul3A_362 = arith.mulf %sub3A_353, %sub3A_353 : vector<16xf32>
      %add3A_363 = arith.addf %add3A_334, %mul3A_362 : vector<16xf32>
      scf.yield %add3A_363 : vector<16xf32>
    }
    %scan3A_45 = arith.constant 32 : i32
    %dma_start3A_46 = arith.constant 2 : i32
    %dma_start3A_47 = arith.constant 0 : i32
    %dma_start3A_48 = arith.constant 0 : i32
    %dma_start3A_49 = arith.constant 0 : i32
    %dma_start3A_50 = tpu.memref_slice %arg8[%dma_start3A_47, %dma_start3A_48, %dma_start3A_49] : memref<2x128x128xf32, #tpu.memory_space<vmem>> -> memref<1x128x128xf32, #tpu.memory_space<vmem>>
    %dma_start3A_51 = tpu.memref_squeeze %dma_start3A_50 : memref<1x128x128xf32, #tpu.memory_space<vmem>> -> memref<128x128xf32, #tpu.memory_space<vmem>>
    %dma_start3A_52 = arith.constant 0 : i32
    %dma_start3A_53 = tpu.memref_slice %arg7[%dma_start3A_46, %dma_start3A_52] : memref<4x128xi32, #tpu.memory_space<vmem>> -> memref<1x128xi32, #tpu.memory_space<vmem>>
    %dma_start3A_54 = tpu.memref_squeeze %dma_start3A_53 : memref<1x128xi32, #tpu.memory_space<vmem>> -> memref<128xi32, #tpu.memory_space<vmem>>
    %dma_start3A_55 = arith.constant 0 : i32
    %dma_start3A_56 = arith.constant 0 : i32
    %dma_start3A_57 = tpu.memref_slice %arg2[%dma_start3A_55, %dma_start3A_56] : memref<8192x128xf32, #tpu.memory_space<hbm>> -> memref<8192x128xf32, #tpu.memory_space<hbm>>
    tpu.enqueue_indirect_dma source(%dma_start3A_57 : memref<8192x128xf32, #tpu.memory_space<hbm>>) target(%dma_start3A_51 : memref<128x128xf32, #tpu.memory_space<vmem>>) offsets(%dma_start3A_54 : memref<128xi32, #tpu.memory_space<vmem>>) semaphore(%arg12 : memref<!tpu.dma_semaphore, #tpu.memory_space<semaphore_mem>>)
    %dma_wait3A_58 = arith.constant 1 : i32
    %dma_wait3A_59 = arith.constant 1 : i32
    %dma_wait3A_60 = arith.constant 0 : i32
    %dma_wait3A_61 = arith.constant 0 : i32
    %dma_wait3A_62 = tpu.memref_slice %arg8[%dma_wait3A_59, %dma_wait3A_60, %dma_wait3A_61] : memref<2x128x128xf32, #tpu.memory_space<vmem>> -> memref<1x128x128xf32, #tpu.memory_space<vmem>>
    %dma_wait3A_63 = tpu.memref_squeeze %dma_wait3A_62 : memref<1x128x128xf32, #tpu.memory_space<vmem>> -> memref<128x128xf32, #tpu.memory_space<vmem>>
    %dma_wait3A_64 = arith.constant 0 : i32
    %dma_wait3A_65 = tpu.memref_slice %arg7[%dma_wait3A_58, %dma_wait3A_64] : memref<4x128xi32, #tpu.memory_space<vmem>> -> memref<1x128xi32, #tpu.memory_space<vmem>>
    %dma_wait3A_66 = tpu.memref_squeeze %dma_wait3A_65 : memref<1x128xi32, #tpu.memory_space<vmem>> -> memref<128xi32, #tpu.memory_space<vmem>>
    %dma_wait3A_67 = arith.constant 0 : i32
    %dma_wait3A_68 = arith.constant 0 : i32
    %dma_wait3A_69 = tpu.memref_slice %arg2[%dma_wait3A_67, %dma_wait3A_68] : memref<8192x128xf32, #tpu.memory_space<hbm>> -> memref<8192x128xf32, #tpu.memory_space<hbm>>
    tpu.wait_indirect_dma semaphore(%arg13 : memref<!tpu.dma_semaphore, #tpu.memory_space<semaphore_mem>>) src(%dma_wait3A_69 : memref<8192x128xf32, #tpu.memory_space<hbm>>) dst(%dma_wait3A_63 : memref<128x128xf32, #tpu.memory_space<vmem>>)
    %scan3A_70 = arith.constant 1 : i32
    %scan3A_71 = arith.constant 0 : i32
    %scan3A_72 = arith.constant 32 : i32
    %scan3A_73 = arith.addi %scan3A_71, %scan3A_72 : i32
    %scan3A_74 = arith.constant 1 : i32
    %scan3A_75 = scf.for %scan3A_132 = %scan3A_71 to %scan3A_73 step %scan3A_74 iter_args(%scan3A_133 = %scan3A_44) -> (vector<16xf32>)  : i32 {
      %mul3A_134 = arith.constant 4 : i32
      %mul3A_135 = arith.muli %scan3A_132, %mul3A_134 : i32
      %add3A_136 = arith.constant 0 : i32
      %add3A_137 = arith.addi %mul3A_135, %add3A_136 : i32
      %get3A = arith.constant 0 : i32
      %get3A_138 = arith.constant 0 : i32
      %get3A_139 = tpu.memref_slice %arg8[%scan3A_70, %get3A, %get3A_138] : memref<2x128x128xf32, #tpu.memory_space<vmem>> -> memref<1x128x128xf32, #tpu.memory_space<vmem>>
      %get3A_140 = tpu.memref_squeeze %get3A_139 : memref<1x128x128xf32, #tpu.memory_space<vmem>> -> memref<128x128xf32, #tpu.memory_space<vmem>>
      %get3A_141 = arith.index_cast %add3A_137 : i32 to index
      %get3A_142 = arith.constant 0 : index
      %get3A_143 = tpu.vector_load %get3A_140[%get3A_141, %get3A_142] {strides = array<i32>} : memref<128x128xf32, #tpu.memory_space<vmem>>, vector<1x16xf32>,
      %get3A_144 = vector.shape_cast %get3A_143 : vector<1x16xf32> to vector<16xf32>
      %add3A_145 = arith.constant 32 : i32
      %add3A_146 = arith.addi %add3A_145, %scan3A_132 : i32
      %get3A_147 = arith.index_cast %add3A_146 : i32 to index
      %get3A_148 = arith.constant 0 : index
      %get3A_149 = tpu.vector_load %arg9[%get3A_147, %get3A_148] {strides = array<i32>} : memref<128x128xf32, #tpu.memory_space<vmem>>, vector<1x16xf32>,
      %get3A_150 = vector.shape_cast %get3A_149 : vector<1x16xf32> to vector<16xf32>
      %sub3A = arith.subf %get3A_144, %get3A_150 : vector<16xf32>
      %sub3A_151 = arith.subf %get3A_150, %sub3A : vector<16xf32>
      %add3A_152 = arith.constant 32 : i32
      %add3A_153 = arith.addi %add3A_152, %scan3A_132 : i32
      %swap3A_154 = arith.index_cast %add3A_153 : i32 to index
      %swap3A_155 = arith.constant 0 : index
      %swap3A_156 = tpu.vector_load %arg10[%swap3A_154, %swap3A_155] {strides = array<i32>} : memref<128x128xf32, #tpu.memory_space<vmem>>, vector<1x16xf32>,
      %swap3A_157 = vector.shape_cast %swap3A_156 : vector<1x16xf32> to vector<16xf32>
      %swap3A_158 = vector.shape_cast %sub3A_151 : vector<16xf32> to vector<1x16xf32>
      tpu.vector_store %arg10[%swap3A_154, %swap3A_155], %swap3A_158 {strides = array<i32>} : memref<128x128xf32, #tpu.memory_space<vmem>>, vector<1x16xf32>,
      %mul3A_159 = arith.mulf %sub3A, %sub3A : vector<16xf32>
      %add3A_160 = arith.addf %scan3A_133, %mul3A_159 : vector<16xf32>
      %mul3A_161 = arith.constant 4 : i32
      %mul3A_162 = arith.muli %scan3A_132, %mul3A_161 : i32
      %add3A_163 = arith.constant 0 : i32
      %add3A_164 = arith.addi %mul3A_162, %add3A_163 : i32
      %get3A_165 = arith.constant 0 : i32
      %get3A_166 = arith.constant 0 : i32
      %get3A_167 = tpu.memref_slice %arg8[%scan3A_70, %get3A_165, %get3A_166] : memref<2x128x128xf32, #tpu.memory_space<vmem>> -> memref<1x128x128xf32, #tpu.memory_space<vmem>>
      %get3A_168 = tpu.memref_squeeze %get3A_167 : memref<1x128x128xf32, #tpu.memory_space<vmem>> -> memref<128x128xf32, #tpu.memory_space<vmem>>
      %get3A_169 = arith.index_cast %add3A_164 : i32 to index
      %get3A_170 = arith.constant 16 : index
      %get3A_171 = tpu.vector_load %get3A_168[%get3A_169, %get3A_170] {strides = array<i32>} : memref<128x128xf32, #tpu.memory_space<vmem>>, vector<1x16xf32>,
      %get3A_172 = vector.shape_cast %get3A_171 : vector<1x16xf32> to vector<16xf32>
      %add3A_173 = arith.constant 32 : i32
      %add3A_174 = arith.addi %add3A_173, %scan3A_132 : i32
      %get3A_175 = arith.index_cast %add3A_174 : i32 to index
      %get3A_176 = arith.constant 16 : index
      %get3A_177 = tpu.vector_load %arg9[%get3A_175, %get3A_176] {strides = array<i32>} : memref<128x128xf32, #tpu.memory_space<vmem>>, vector<1x16xf32>,
      %get3A_178 = vector.shape_cast %get3A_177 : vector<1x16xf32> to vector<16xf32>
      %sub3A_179 = arith.subf %get3A_172, %get3A_178 : vector<16xf32>
      %sub3A_180 = arith.subf %get3A_178, %sub3A_179 : vector<16xf32>
      %add3A_181 = arith.constant 32 : i32
      %add3A_182 = arith.addi %add3A_181, %scan3A_132 : i32
      %swap3A_183 = arith.index_cast %add3A_182 : i32 to index
      %swap3A_184 = arith.constant 16 : index
      %swap3A_185 = tpu.vector_load %arg10[%swap3A_183, %swap3A_184] {strides = array<i32>} : memref<128x128xf32, #tpu.memory_space<vmem>>, vector<1x16xf32>,
      %swap3A_186 = vector.shape_cast %swap3A_185 : vector<1x16xf32> to vector<16xf32>
      %swap3A_187 = vector.shape_cast %sub3A_180 : vector<16xf32> to vector<1x16xf32>
      tpu.vector_store %arg10[%swap3A_183, %swap3A_184], %swap3A_187 {strides = array<i32>} : memref<128x128xf32, #tpu.memory_space<vmem>>, vector<1x16xf32>,
      %mul3A_188 = arith.mulf %sub3A_179, %sub3A_179 : vector<16xf32>
      %add3A_189 = arith.addf %add3A_160, %mul3A_188 : vector<16xf32>
      %mul3A_190 = arith.constant 4 : i32
      %mul3A_191 = arith.muli %scan3A_132, %mul3A_190 : i32
      %add3A_192 = arith.constant 1 : i32
      %add3A_193 = arith.addi %mul3A_191, %add3A_192 : i32
      %get3A_194 = arith.constant 0 : i32
      %get3A_195 = arith.constant 0 : i32
      %get3A_196 = tpu.memref_slice %arg8[%scan3A_70, %get3A_194, %get3A_195] : memref<2x128x128xf32, #tpu.memory_space<vmem>> -> memref<1x128x128xf32, #tpu.memory_space<vmem>>
      %get3A_197 = tpu.memref_squeeze %get3A_196 : memref<1x128x128xf32, #tpu.memory_space<vmem>> -> memref<128x128xf32, #tpu.memory_space<vmem>>
      %get3A_198 = arith.index_cast %add3A_193 : i32 to index
      %get3A_199 = arith.constant 0 : index
      %get3A_200 = tpu.vector_load %get3A_197[%get3A_198, %get3A_199] {strides = array<i32>} : memref<128x128xf32, #tpu.memory_space<vmem>>, vector<1x16xf32>,
      %get3A_201 = vector.shape_cast %get3A_200 : vector<1x16xf32> to vector<16xf32>
      %add3A_202 = arith.constant 32 : i32
      %add3A_203 = arith.addi %add3A_202, %scan3A_132 : i32
      %get3A_204 = arith.index_cast %add3A_203 : i32 to index
      %get3A_205 = arith.constant 32 : index
      %get3A_206 = tpu.vector_load %arg9[%get3A_204, %get3A_205] {strides = array<i32>} : memref<128x128xf32, #tpu.memory_space<vmem>>, vector<1x16xf32>,
      %get3A_207 = vector.shape_cast %get3A_206 : vector<1x16xf32> to vector<16xf32>
      %sub3A_208 = arith.subf %get3A_201, %get3A_207 : vector<16xf32>
      %sub3A_209 = arith.subf %get3A_207, %sub3A_208 : vector<16xf32>
      %add3A_210 = arith.constant 32 : i32
      %add3A_211 = arith.addi %add3A_210, %scan3A_132 : i32
      %swap3A_212 = arith.index_cast %add3A_211 : i32 to index
      %swap3A_213 = arith.constant 32 : index
      %swap3A_214 = tpu.vector_load %arg10[%swap3A_212, %swap3A_213] {strides = array<i32>} : memref<128x128xf32, #tpu.memory_space<vmem>>, vector<1x16xf32>,
      %swap3A_215 = vector.shape_cast %swap3A_214 : vector<1x16xf32> to vector<16xf32>
      %swap3A_216 = vector.shape_cast %sub3A_209 : vector<16xf32> to vector<1x16xf32>
      tpu.vector_store %arg10[%swap3A_212, %swap3A_213], %swap3A_216 {strides = array<i32>} : memref<128x128xf32, #tpu.memory_space<vmem>>, vector<1x16xf32>,
      %mul3A_217 = arith.mulf %sub3A_208, %sub3A_208 : vector<16xf32>
      %add3A_218 = arith.addf %add3A_189, %mul3A_217 : vector<16xf32>
      %mul3A_219 = arith.constant 4 : i32
      %mul3A_220 = arith.muli %scan3A_132, %mul3A_219 : i32
      %add3A_221 = arith.constant 1 : i32
      %add3A_222 = arith.addi %mul3A_220, %add3A_221 : i32
      %get3A_223 = arith.constant 0 : i32
      %get3A_224 = arith.constant 0 : i32
      %get3A_225 = tpu.memref_slice %arg8[%scan3A_70, %get3A_223, %get3A_224] : memref<2x128x128xf32, #tpu.memory_space<vmem>> -> memref<1x128x128xf32, #tpu.memory_space<vmem>>
      %get3A_226 = tpu.memref_squeeze %get3A_225 : memref<1x128x128xf32, #tpu.memory_space<vmem>> -> memref<128x128xf32, #tpu.memory_space<vmem>>
      %get3A_227 = arith.index_cast %add3A_222 : i32 to index
      %get3A_228 = arith.constant 16 : index
      %get3A_229 = tpu.vector_load %get3A_226[%get3A_227, %get3A_228] {strides = array<i32>} : memref<128x128xf32, #tpu.memory_space<vmem>>, vector<1x16xf32>,
      %get3A_230 = vector.shape_cast %get3A_229 : vector<1x16xf32> to vector<16xf32>
      %add3A_231 = arith.constant 32 : i32
      %add3A_232 = arith.addi %add3A_231, %scan3A_132 : i32
      %get3A_233 = arith.index_cast %add3A_232 : i32 to index
      %get3A_234 = arith.constant 48 : index
      %get3A_235 = tpu.vector_load %arg9[%get3A_233, %get3A_234] {strides = array<i32>} : memref<128x128xf32, #tpu.memory_space<vmem>>, vector<1x16xf32>,
      %get3A_236 = vector.shape_cast %get3A_235 : vector<1x16xf32> to vector<16xf32>
      %sub3A_237 = arith.subf %get3A_230, %get3A_236 : vector<16xf32>
      %sub3A_238 = arith.subf %get3A_236, %sub3A_237 : vector<16xf32>
      %add3A_239 = arith.constant 32 : i32
      %add3A_240 = arith.addi %add3A_239, %scan3A_132 : i32
      %swap3A_241 = arith.index_cast %add3A_240 : i32 to index
      %swap3A_242 = arith.constant 48 : index
      %swap3A_243 = tpu.vector_load %arg10[%swap3A_241, %swap3A_242] {strides = array<i32>} : memref<128x128xf32, #tpu.memory_space<vmem>>, vector<1x16xf32>,
      %swap3A_244 = vector.shape_cast %swap3A_243 : vector<1x16xf32> to vector<16xf32>
      %swap3A_245 = vector.shape_cast %sub3A_238 : vector<16xf32> to vector<1x16xf32>
      tpu.vector_store %arg10[%swap3A_241, %swap3A_242], %swap3A_245 {strides = array<i32>} : memref<128x128xf32, #tpu.memory_space<vmem>>, vector<1x16xf32>,
      %mul3A_246 = arith.mulf %sub3A_237, %sub3A_237 : vector<16xf32>
      %add3A_247 = arith.addf %add3A_218, %mul3A_246 : vector<16xf32>
      %mul3A_248 = arith.constant 4 : i32
      %mul3A_249 = arith.muli %scan3A_132, %mul3A_248 : i32
      %add3A_250 = arith.constant 2 : i32
      %add3A_251 = arith.addi %mul3A_249, %add3A_250 : i32
      %get3A_252 = arith.constant 0 : i32
      %get3A_253 = arith.constant 0 : i32
      %get3A_254 = tpu.memref_slice %arg8[%scan3A_70, %get3A_252, %get3A_253] : memref<2x128x128xf32, #tpu.memory_space<vmem>> -> memref<1x128x128xf32, #tpu.memory_space<vmem>>
      %get3A_255 = tpu.memref_squeeze %get3A_254 : memref<1x128x128xf32, #tpu.memory_space<vmem>> -> memref<128x128xf32, #tpu.memory_space<vmem>>
      %get3A_256 = arith.index_cast %add3A_251 : i32 to index
      %get3A_257 = arith.constant 0 : index
      %get3A_258 = tpu.vector_load %get3A_255[%get3A_256, %get3A_257] {strides = array<i32>} : memref<128x128xf32, #tpu.memory_space<vmem>>, vector<1x16xf32>,
      %get3A_259 = vector.shape_cast %get3A_258 : vector<1x16xf32> to vector<16xf32>
      %add3A_260 = arith.constant 32 : i32
      %add3A_261 = arith.addi %add3A_260, %scan3A_132 : i32
      %get3A_262 = arith.index_cast %add3A_261 : i32 to index
      %get3A_263 = arith.constant 64 : index
      %get3A_264 = tpu.vector_load %arg9[%get3A_262, %get3A_263] {strides = array<i32>} : memref<128x128xf32, #tpu.memory_space<vmem>>, vector<1x16xf32>,
      %get3A_265 = vector.shape_cast %get3A_264 : vector<1x16xf32> to vector<16xf32>
      %sub3A_266 = arith.subf %get3A_259, %get3A_265 : vector<16xf32>
      %sub3A_267 = arith.subf %get3A_265, %sub3A_266 : vector<16xf32>
      %add3A_268 = arith.constant 32 : i32
      %add3A_269 = arith.addi %add3A_268, %scan3A_132 : i32
      %swap3A_270 = arith.index_cast %add3A_269 : i32 to index
      %swap3A_271 = arith.constant 64 : index
      %swap3A_272 = tpu.vector_load %arg10[%swap3A_270, %swap3A_271] {strides = array<i32>} : memref<128x128xf32, #tpu.memory_space<vmem>>, vector<1x16xf32>,
      %swap3A_273 = vector.shape_cast %swap3A_272 : vector<1x16xf32> to vector<16xf32>
      %swap3A_274 = vector.shape_cast %sub3A_267 : vector<16xf32> to vector<1x16xf32>
      tpu.vector_store %arg10[%swap3A_270, %swap3A_271], %swap3A_274 {strides = array<i32>} : memref<128x128xf32, #tpu.memory_space<vmem>>, vector<1x16xf32>,
      %mul3A_275 = arith.mulf %sub3A_266, %sub3A_266 : vector<16xf32>
      %add3A_276 = arith.addf %add3A_247, %mul3A_275 : vector<16xf32>
      %mul3A_277 = arith.constant 4 : i32
      %mul3A_278 = arith.muli %scan3A_132, %mul3A_277 : i32
      %add3A_279 = arith.constant 2 : i32
      %add3A_280 = arith.addi %mul3A_278, %add3A_279 : i32
      %get3A_281 = arith.constant 0 : i32
      %get3A_282 = arith.constant 0 : i32
      %get3A_283 = tpu.memref_slice %arg8[%scan3A_70, %get3A_281, %get3A_282] : memref<2x128x128xf32, #tpu.memory_space<vmem>> -> memref<1x128x128xf32, #tpu.memory_space<vmem>>
      %get3A_284 = tpu.memref_squeeze %get3A_283 : memref<1x128x128xf32, #tpu.memory_space<vmem>> -> memref<128x128xf32, #tpu.memory_space<vmem>>
      %get3A_285 = arith.index_cast %add3A_280 : i32 to index
      %get3A_286 = arith.constant 16 : index
      %get3A_287 = tpu.vector_load %get3A_284[%get3A_285, %get3A_286] {strides = array<i32>} : memref<128x128xf32, #tpu.memory_space<vmem>>, vector<1x16xf32>,
      %get3A_288 = vector.shape_cast %get3A_287 : vector<1x16xf32> to vector<16xf32>
      %add3A_289 = arith.constant 32 : i32
      %add3A_290 = arith.addi %add3A_289, %scan3A_132 : i32
      %get3A_291 = arith.index_cast %add3A_290 : i32 to index
      %get3A_292 = arith.constant 80 : index
      %get3A_293 = tpu.vector_load %arg9[%get3A_291, %get3A_292] {strides = array<i32>} : memref<128x128xf32, #tpu.memory_space<vmem>>, vector<1x16xf32>,
      %get3A_294 = vector.shape_cast %get3A_293 : vector<1x16xf32> to vector<16xf32>
      %sub3A_295 = arith.subf %get3A_288, %get3A_294 : vector<16xf32>
      %sub3A_296 = arith.subf %get3A_294, %sub3A_295 : vector<16xf32>
      %add3A_297 = arith.constant 32 : i32
      %add3A_298 = arith.addi %add3A_297, %scan3A_132 : i32
      %swap3A_299 = arith.index_cast %add3A_298 : i32 to index
      %swap3A_300 = arith.constant 80 : index
      %swap3A_301 = tpu.vector_load %arg10[%swap3A_299, %swap3A_300] {strides = array<i32>} : memref<128x128xf32, #tpu.memory_space<vmem>>, vector<1x16xf32>,
      %swap3A_302 = vector.shape_cast %swap3A_301 : vector<1x16xf32> to vector<16xf32>
      %swap3A_303 = vector.shape_cast %sub3A_296 : vector<16xf32> to vector<1x16xf32>
      tpu.vector_store %arg10[%swap3A_299, %swap3A_300], %swap3A_303 {strides = array<i32>} : memref<128x128xf32, #tpu.memory_space<vmem>>, vector<1x16xf32>,
      %mul3A_304 = arith.mulf %sub3A_295, %sub3A_295 : vector<16xf32>
      %add3A_305 = arith.addf %add3A_276, %mul3A_304 : vector<16xf32>
      %mul3A_306 = arith.constant 4 : i32
      %mul3A_307 = arith.muli %scan3A_132, %mul3A_306 : i32
      %add3A_308 = arith.constant 3 : i32
      %add3A_309 = arith.addi %mul3A_307, %add3A_308 : i32
      %get3A_310 = arith.constant 0 : i32
      %get3A_311 = arith.constant 0 : i32
      %get3A_312 = tpu.memref_slice %arg8[%scan3A_70, %get3A_310, %get3A_311] : memref<2x128x128xf32, #tpu.memory_space<vmem>> -> memref<1x128x128xf32, #tpu.memory_space<vmem>>
      %get3A_313 = tpu.memref_squeeze %get3A_312 : memref<1x128x128xf32, #tpu.memory_space<vmem>> -> memref<128x128xf32, #tpu.memory_space<vmem>>
      %get3A_314 = arith.index_cast %add3A_309 : i32 to index
      %get3A_315 = arith.constant 0 : index
      %get3A_316 = tpu.vector_load %get3A_313[%get3A_314, %get3A_315] {strides = array<i32>} : memref<128x128xf32, #tpu.memory_space<vmem>>, vector<1x16xf32>,
      %get3A_317 = vector.shape_cast %get3A_316 : vector<1x16xf32> to vector<16xf32>
      %add3A_318 = arith.constant 32 : i32
      %add3A_319 = arith.addi %add3A_318, %scan3A_132 : i32
      %get3A_320 = arith.index_cast %add3A_319 : i32 to index
      %get3A_321 = arith.constant 96 : index
      %get3A_322 = tpu.vector_load %arg9[%get3A_320, %get3A_321] {strides = array<i32>} : memref<128x128xf32, #tpu.memory_space<vmem>>, vector<1x16xf32>,
      %get3A_323 = vector.shape_cast %get3A_322 : vector<1x16xf32> to vector<16xf32>
      %sub3A_324 = arith.subf %get3A_317, %get3A_323 : vector<16xf32>
      %sub3A_325 = arith.subf %get3A_323, %sub3A_324 : vector<16xf32>
      %add3A_326 = arith.constant 32 : i32
      %add3A_327 = arith.addi %add3A_326, %scan3A_132 : i32
      %swap3A_328 = arith.index_cast %add3A_327 : i32 to index
      %swap3A_329 = arith.constant 96 : index
      %swap3A_330 = tpu.vector_load %arg10[%swap3A_328, %swap3A_329] {strides = array<i32>} : memref<128x128xf32, #tpu.memory_space<vmem>>, vector<1x16xf32>,
      %swap3A_331 = vector.shape_cast %swap3A_330 : vector<1x16xf32> to vector<16xf32>
      %swap3A_332 = vector.shape_cast %sub3A_325 : vector<16xf32> to vector<1x16xf32>
      tpu.vector_store %arg10[%swap3A_328, %swap3A_329], %swap3A_332 {strides = array<i32>} : memref<128x128xf32, #tpu.memory_space<vmem>>, vector<1x16xf32>,
      %mul3A_333 = arith.mulf %sub3A_324, %sub3A_324 : vector<16xf32>
      %add3A_334 = arith.addf %add3A_305, %mul3A_333 : vector<16xf32>
      %mul3A_335 = arith.constant 4 : i32
      %mul3A_336 = arith.muli %scan3A_132, %mul3A_335 : i32
      %add3A_337 = arith.constant 3 : i32
      %add3A_338 = arith.addi %mul3A_336, %add3A_337 : i32
      %get3A_339 = arith.constant 0 : i32
      %get3A_340 = arith.constant 0 : i32
      %get3A_341 = tpu.memref_slice %arg8[%scan3A_70, %get3A_339, %get3A_340] : memref<2x128x128xf32, #tpu.memory_space<vmem>> -> memref<1x128x128xf32, #tpu.memory_space<vmem>>
      %get3A_342 = tpu.memref_squeeze %get3A_341 : memref<1x128x128xf32, #tpu.memory_space<vmem>> -> memref<128x128xf32, #tpu.memory_space<vmem>>
      %get3A_343 = arith.index_cast %add3A_338 : i32 to index
      %get3A_344 = arith.constant 16 : index
      %get3A_345 = tpu.vector_load %get3A_342[%get3A_343, %get3A_344] {strides = array<i32>} : memref<128x128xf32, #tpu.memory_space<vmem>>, vector<1x16xf32>,
      %get3A_346 = vector.shape_cast %get3A_345 : vector<1x16xf32> to vector<16xf32>
      %add3A_347 = arith.constant 32 : i32
      %add3A_348 = arith.addi %add3A_347, %scan3A_132 : i32
      %get3A_349 = arith.index_cast %add3A_348 : i32 to index
      %get3A_350 = arith.constant 112 : index
      %get3A_351 = tpu.vector_load %arg9[%get3A_349, %get3A_350] {strides = array<i32>} : memref<128x128xf32, #tpu.memory_space<vmem>>, vector<1x16xf32>,
      %get3A_352 = vector.shape_cast %get3A_351 : vector<1x16xf32> to vector<16xf32>
      %sub3A_353 = arith.subf %get3A_346, %get3A_352 : vector<16xf32>
      %sub3A_354 = arith.subf %get3A_352, %sub3A_353 : vector<16xf32>
      %add3A_355 = arith.constant 32 : i32
      %add3A_356 = arith.addi %add3A_355, %scan3A_132 : i32
      %swap3A_357 = arith.index_cast %add3A_356 : i32 to index
      %swap3A_358 = arith.constant 112 : index
      %swap3A_359 = tpu.vector_load %arg10[%swap3A_357, %swap3A_358] {strides = array<i32>} : memref<128x128xf32, #tpu.memory_space<vmem>>, vector<1x16xf32>,
      %swap3A_360 = vector.shape_cast %swap3A_359 : vector<1x16xf32> to vector<16xf32>
      %swap3A_361 = vector.shape_cast %sub3A_354 : vector<16xf32> to vector<1x16xf32>
      tpu.vector_store %arg10[%swap3A_357, %swap3A_358], %swap3A_361 {strides = array<i32>} : memref<128x128xf32, #tpu.memory_space<vmem>>, vector<1x16xf32>,
      %mul3A_362 = arith.mulf %sub3A_353, %sub3A_353 : vector<16xf32>
      %add3A_363 = arith.addf %add3A_334, %mul3A_362 : vector<16xf32>
      scf.yield %add3A_363 : vector<16xf32>
    }
    %scan3A_76 = arith.constant 32 : i32
    %dma_start3A_77 = arith.constant 3 : i32
    %dma_start3A_78 = arith.constant 1 : i32
    %dma_start3A_79 = arith.constant 0 : i32
    %dma_start3A_80 = arith.constant 0 : i32
    %dma_start3A_81 = tpu.memref_slice %arg8[%dma_start3A_78, %dma_start3A_79, %dma_start3A_80] : memref<2x128x128xf32, #tpu.memory_space<vmem>> -> memref<1x128x128xf32, #tpu.memory_space<vmem>>
    %dma_start3A_82 = tpu.memref_squeeze %dma_start3A_81 : memref<1x128x128xf32, #tpu.memory_space<vmem>> -> memref<128x128xf32, #tpu.memory_space<vmem>>
    %dma_start3A_83 = arith.constant 0 : i32
    %dma_start3A_84 = tpu.memref_slice %arg7[%dma_start3A_77, %dma_start3A_83] : memref<4x128xi32, #tpu.memory_space<vmem>> -> memref<1x128xi32, #tpu.memory_space<vmem>>
    %dma_start3A_85 = tpu.memref_squeeze %dma_start3A_84 : memref<1x128xi32, #tpu.memory_space<vmem>> -> memref<128xi32, #tpu.memory_space<vmem>>
    %dma_start3A_86 = arith.constant 0 : i32
    %dma_start3A_87 = arith.constant 0 : i32
    %dma_start3A_88 = tpu.memref_slice %arg2[%dma_start3A_86, %dma_start3A_87] : memref<8192x128xf32, #tpu.memory_space<hbm>> -> memref<8192x128xf32, #tpu.memory_space<hbm>>
    tpu.enqueue_indirect_dma source(%dma_start3A_88 : memref<8192x128xf32, #tpu.memory_space<hbm>>) target(%dma_start3A_82 : memref<128x128xf32, #tpu.memory_space<vmem>>) offsets(%dma_start3A_85 : memref<128xi32, #tpu.memory_space<vmem>>) semaphore(%arg13 : memref<!tpu.dma_semaphore, #tpu.memory_space<semaphore_mem>>)
    %dma_wait3A_89 = arith.constant 2 : i32
    %dma_wait3A_90 = arith.constant 0 : i32
    %dma_wait3A_91 = arith.constant 0 : i32
    %dma_wait3A_92 = arith.constant 0 : i32
    %dma_wait3A_93 = tpu.memref_slice %arg8[%dma_wait3A_90, %dma_wait3A_91, %dma_wait3A_92] : memref<2x128x128xf32, #tpu.memory_space<vmem>> -> memref<1x128x128xf32, #tpu.memory_space<vmem>>
    %dma_wait3A_94 = tpu.memref_squeeze %dma_wait3A_93 : memref<1x128x128xf32, #tpu.memory_space<vmem>> -> memref<128x128xf32, #tpu.memory_space<vmem>>
    %dma_wait3A_95 = arith.constant 0 : i32
    %dma_wait3A_96 = tpu.memref_slice %arg7[%dma_wait3A_89, %dma_wait3A_95] : memref<4x128xi32, #tpu.memory_space<vmem>> -> memref<1x128xi32, #tpu.memory_space<vmem>>
    %dma_wait3A_97 = tpu.memref_squeeze %dma_wait3A_96 : memref<1x128xi32, #tpu.memory_space<vmem>> -> memref<128xi32, #tpu.memory_space<vmem>>
    %dma_wait3A_98 = arith.constant 0 : i32
    %dma_wait3A_99 = arith.constant 0 : i32
    %dma_wait3A_100 = tpu.memref_slice %arg2[%dma_wait3A_98, %dma_wait3A_99] : memref<8192x128xf32, #tpu.memory_space<hbm>> -> memref<8192x128xf32, #tpu.memory_space<hbm>>
    tpu.wait_indirect_dma semaphore(%arg12 : memref<!tpu.dma_semaphore, #tpu.memory_space<semaphore_mem>>) src(%dma_wait3A_100 : memref<8192x128xf32, #tpu.memory_space<hbm>>) dst(%dma_wait3A_94 : memref<128x128xf32, #tpu.memory_space<vmem>>)
    %scan3A_101 = arith.constant 0 : i32
    %scan3A_102 = arith.constant 0 : i32
    %scan3A_103 = arith.constant 32 : i32
    %scan3A_104 = arith.addi %scan3A_102, %scan3A_103 : i32
    %scan3A_105 = arith.constant 1 : i32
    %scan3A_106 = scf.for %scan3A_132 = %scan3A_102 to %scan3A_104 step %scan3A_105 iter_args(%scan3A_133 = %scan3A_75) -> (vector<16xf32>)  : i32 {
      %mul3A_134 = arith.constant 4 : i32
      %mul3A_135 = arith.muli %scan3A_132, %mul3A_134 : i32
      %add3A_136 = arith.constant 0 : i32
      %add3A_137 = arith.addi %mul3A_135, %add3A_136 : i32
      %get3A = arith.constant 0 : i32
      %get3A_138 = arith.constant 0 : i32
      %get3A_139 = tpu.memref_slice %arg8[%scan3A_101, %get3A, %get3A_138] : memref<2x128x128xf32, #tpu.memory_space<vmem>> -> memref<1x128x128xf32, #tpu.memory_space<vmem>>
      %get3A_140 = tpu.memref_squeeze %get3A_139 : memref<1x128x128xf32, #tpu.memory_space<vmem>> -> memref<128x128xf32, #tpu.memory_space<vmem>>
      %get3A_141 = arith.index_cast %add3A_137 : i32 to index
      %get3A_142 = arith.constant 0 : index
      %get3A_143 = tpu.vector_load %get3A_140[%get3A_141, %get3A_142] {strides = array<i32>} : memref<128x128xf32, #tpu.memory_space<vmem>>, vector<1x16xf32>,
      %get3A_144 = vector.shape_cast %get3A_143 : vector<1x16xf32> to vector<16xf32>
      %add3A_145 = arith.constant 64 : i32
      %add3A_146 = arith.addi %add3A_145, %scan3A_132 : i32
      %get3A_147 = arith.index_cast %add3A_146 : i32 to index
      %get3A_148 = arith.constant 0 : index
      %get3A_149 = tpu.vector_load %arg9[%get3A_147, %get3A_148] {strides = array<i32>} : memref<128x128xf32, #tpu.memory_space<vmem>>, vector<1x16xf32>,
      %get3A_150 = vector.shape_cast %get3A_149 : vector<1x16xf32> to vector<16xf32>
      %sub3A = arith.subf %get3A_144, %get3A_150 : vector<16xf32>
      %sub3A_151 = arith.subf %get3A_150, %sub3A : vector<16xf32>
      %add3A_152 = arith.constant 64 : i32
      %add3A_153 = arith.addi %add3A_152, %scan3A_132 : i32
      %swap3A_154 = arith.index_cast %add3A_153 : i32 to index
      %swap3A_155 = arith.constant 0 : index
      %swap3A_156 = tpu.vector_load %arg10[%swap3A_154, %swap3A_155] {strides = array<i32>} : memref<128x128xf32, #tpu.memory_space<vmem>>, vector<1x16xf32>,
      %swap3A_157 = vector.shape_cast %swap3A_156 : vector<1x16xf32> to vector<16xf32>
      %swap3A_158 = vector.shape_cast %sub3A_151 : vector<16xf32> to vector<1x16xf32>
      tpu.vector_store %arg10[%swap3A_154, %swap3A_155], %swap3A_158 {strides = array<i32>} : memref<128x128xf32, #tpu.memory_space<vmem>>, vector<1x16xf32>,
      %mul3A_159 = arith.mulf %sub3A, %sub3A : vector<16xf32>
      %add3A_160 = arith.addf %scan3A_133, %mul3A_159 : vector<16xf32>
      %mul3A_161 = arith.constant 4 : i32
      %mul3A_162 = arith.muli %scan3A_132, %mul3A_161 : i32
      %add3A_163 = arith.constant 0 : i32
      %add3A_164 = arith.addi %mul3A_162, %add3A_163 : i32
      %get3A_165 = arith.constant 0 : i32
      %get3A_166 = arith.constant 0 : i32
      %get3A_167 = tpu.memref_slice %arg8[%scan3A_101, %get3A_165, %get3A_166] : memref<2x128x128xf32, #tpu.memory_space<vmem>> -> memref<1x128x128xf32, #tpu.memory_space<vmem>>
      %get3A_168 = tpu.memref_squeeze %get3A_167 : memref<1x128x128xf32, #tpu.memory_space<vmem>> -> memref<128x128xf32, #tpu.memory_space<vmem>>
      %get3A_169 = arith.index_cast %add3A_164 : i32 to index
      %get3A_170 = arith.constant 16 : index
      %get3A_171 = tpu.vector_load %get3A_168[%get3A_169, %get3A_170] {strides = array<i32>} : memref<128x128xf32, #tpu.memory_space<vmem>>, vector<1x16xf32>,
      %get3A_172 = vector.shape_cast %get3A_171 : vector<1x16xf32> to vector<16xf32>
      %add3A_173 = arith.constant 64 : i32
      %add3A_174 = arith.addi %add3A_173, %scan3A_132 : i32
      %get3A_175 = arith.index_cast %add3A_174 : i32 to index
      %get3A_176 = arith.constant 16 : index
      %get3A_177 = tpu.vector_load %arg9[%get3A_175, %get3A_176] {strides = array<i32>} : memref<128x128xf32, #tpu.memory_space<vmem>>, vector<1x16xf32>,
      %get3A_178 = vector.shape_cast %get3A_177 : vector<1x16xf32> to vector<16xf32>
      %sub3A_179 = arith.subf %get3A_172, %get3A_178 : vector<16xf32>
      %sub3A_180 = arith.subf %get3A_178, %sub3A_179 : vector<16xf32>
      %add3A_181 = arith.constant 64 : i32
      %add3A_182 = arith.addi %add3A_181, %scan3A_132 : i32
      %swap3A_183 = arith.index_cast %add3A_182 : i32 to index
      %swap3A_184 = arith.constant 16 : index
      %swap3A_185 = tpu.vector_load %arg10[%swap3A_183, %swap3A_184] {strides = array<i32>} : memref<128x128xf32, #tpu.memory_space<vmem>>, vector<1x16xf32>,
      %swap3A_186 = vector.shape_cast %swap3A_185 : vector<1x16xf32> to vector<16xf32>
      %swap3A_187 = vector.shape_cast %sub3A_180 : vector<16xf32> to vector<1x16xf32>
      tpu.vector_store %arg10[%swap3A_183, %swap3A_184], %swap3A_187 {strides = array<i32>} : memref<128x128xf32, #tpu.memory_space<vmem>>, vector<1x16xf32>,
      %mul3A_188 = arith.mulf %sub3A_179, %sub3A_179 : vector<16xf32>
      %add3A_189 = arith.addf %add3A_160, %mul3A_188 : vector<16xf32>
      %mul3A_190 = arith.constant 4 : i32
      %mul3A_191 = arith.muli %scan3A_132, %mul3A_190 : i32
      %add3A_192 = arith.constant 1 : i32
      %add3A_193 = arith.addi %mul3A_191, %add3A_192 : i32
      %get3A_194 = arith.constant 0 : i32
      %get3A_195 = arith.constant 0 : i32
      %get3A_196 = tpu.memref_slice %arg8[%scan3A_101, %get3A_194, %get3A_195] : memref<2x128x128xf32, #tpu.memory_space<vmem>> -> memref<1x128x128xf32, #tpu.memory_space<vmem>>
      %get3A_197 = tpu.memref_squeeze %get3A_196 : memref<1x128x128xf32, #tpu.memory_space<vmem>> -> memref<128x128xf32, #tpu.memory_space<vmem>>
      %get3A_198 = arith.index_cast %add3A_193 : i32 to index
      %get3A_199 = arith.constant 0 : index
      %get3A_200 = tpu.vector_load %get3A_197[%get3A_198, %get3A_199] {strides = array<i32>} : memref<128x128xf32, #tpu.memory_space<vmem>>, vector<1x16xf32>,
      %get3A_201 = vector.shape_cast %get3A_200 : vector<1x16xf32> to vector<16xf32>
      %add3A_202 = arith.constant 64 : i32
      %add3A_203 = arith.addi %add3A_202, %scan3A_132 : i32
      %get3A_204 = arith.index_cast %add3A_203 : i32 to index
      %get3A_205 = arith.constant 32 : index
      %get3A_206 = tpu.vector_load %arg9[%get3A_204, %get3A_205] {strides = array<i32>} : memref<128x128xf32, #tpu.memory_space<vmem>>, vector<1x16xf32>,
      %get3A_207 = vector.shape_cast %get3A_206 : vector<1x16xf32> to vector<16xf32>
      %sub3A_208 = arith.subf %get3A_201, %get3A_207 : vector<16xf32>
      %sub3A_209 = arith.subf %get3A_207, %sub3A_208 : vector<16xf32>
      %add3A_210 = arith.constant 64 : i32
      %add3A_211 = arith.addi %add3A_210, %scan3A_132 : i32
      %swap3A_212 = arith.index_cast %add3A_211 : i32 to index
      %swap3A_213 = arith.constant 32 : index
      %swap3A_214 = tpu.vector_load %arg10[%swap3A_212, %swap3A_213] {strides = array<i32>} : memref<128x128xf32, #tpu.memory_space<vmem>>, vector<1x16xf32>,
      %swap3A_215 = vector.shape_cast %swap3A_214 : vector<1x16xf32> to vector<16xf32>
      %swap3A_216 = vector.shape_cast %sub3A_209 : vector<16xf32> to vector<1x16xf32>
      tpu.vector_store %arg10[%swap3A_212, %swap3A_213], %swap3A_216 {strides = array<i32>} : memref<128x128xf32, #tpu.memory_space<vmem>>, vector<1x16xf32>,
      %mul3A_217 = arith.mulf %sub3A_208, %sub3A_208 : vector<16xf32>
      %add3A_218 = arith.addf %add3A_189, %mul3A_217 : vector<16xf32>
      %mul3A_219 = arith.constant 4 : i32
      %mul3A_220 = arith.muli %scan3A_132, %mul3A_219 : i32
      %add3A_221 = arith.constant 1 : i32
      %add3A_222 = arith.addi %mul3A_220, %add3A_221 : i32
      %get3A_223 = arith.constant 0 : i32
      %get3A_224 = arith.constant 0 : i32
      %get3A_225 = tpu.memref_slice %arg8[%scan3A_101, %get3A_223, %get3A_224] : memref<2x128x128xf32, #tpu.memory_space<vmem>> -> memref<1x128x128xf32, #tpu.memory_space<vmem>>
      %get3A_226 = tpu.memref_squeeze %get3A_225 : memref<1x128x128xf32, #tpu.memory_space<vmem>> -> memref<128x128xf32, #tpu.memory_space<vmem>>
      %get3A_227 = arith.index_cast %add3A_222 : i32 to index
      %get3A_228 = arith.constant 16 : index
      %get3A_229 = tpu.vector_load %get3A_226[%get3A_227, %get3A_228] {strides = array<i32>} : memref<128x128xf32, #tpu.memory_space<vmem>>, vector<1x16xf32>,
      %get3A_230 = vector.shape_cast %get3A_229 : vector<1x16xf32> to vector<16xf32>
      %add3A_231 = arith.constant 64 : i32
      %add3A_232 = arith.addi %add3A_231, %scan3A_132 : i32
      %get3A_233 = arith.index_cast %add3A_232 : i32 to index
      %get3A_234 = arith.constant 48 : index
      %get3A_235 = tpu.vector_load %arg9[%get3A_233, %get3A_234] {strides = array<i32>} : memref<128x128xf32, #tpu.memory_space<vmem>>, vector<1x16xf32>,
      %get3A_236 = vector.shape_cast %get3A_235 : vector<1x16xf32> to vector<16xf32>
      %sub3A_237 = arith.subf %get3A_230, %get3A_236 : vector<16xf32>
      %sub3A_238 = arith.subf %get3A_236, %sub3A_237 : vector<16xf32>
      %add3A_239 = arith.constant 64 : i32
      %add3A_240 = arith.addi %add3A_239, %scan3A_132 : i32
      %swap3A_241 = arith.index_cast %add3A_240 : i32 to index
      %swap3A_242 = arith.constant 48 : index
      %swap3A_243 = tpu.vector_load %arg10[%swap3A_241, %swap3A_242] {strides = array<i32>} : memref<128x128xf32, #tpu.memory_space<vmem>>, vector<1x16xf32>,
      %swap3A_244 = vector.shape_cast %swap3A_243 : vector<1x16xf32> to vector<16xf32>
      %swap3A_245 = vector.shape_cast %sub3A_238 : vector<16xf32> to vector<1x16xf32>
      tpu.vector_store %arg10[%swap3A_241, %swap3A_242], %swap3A_245 {strides = array<i32>} : memref<128x128xf32, #tpu.memory_space<vmem>>, vector<1x16xf32>,
      %mul3A_246 = arith.mulf %sub3A_237, %sub3A_237 : vector<16xf32>
      %add3A_247 = arith.addf %add3A_218, %mul3A_246 : vector<16xf32>
      %mul3A_248 = arith.constant 4 : i32
      %mul3A_249 = arith.muli %scan3A_132, %mul3A_248 : i32
      %add3A_250 = arith.constant 2 : i32
      %add3A_251 = arith.addi %mul3A_249, %add3A_250 : i32
      %get3A_252 = arith.constant 0 : i32
      %get3A_253 = arith.constant 0 : i32
      %get3A_254 = tpu.memref_slice %arg8[%scan3A_101, %get3A_252, %get3A_253] : memref<2x128x128xf32, #tpu.memory_space<vmem>> -> memref<1x128x128xf32, #tpu.memory_space<vmem>>
      %get3A_255 = tpu.memref_squeeze %get3A_254 : memref<1x128x128xf32, #tpu.memory_space<vmem>> -> memref<128x128xf32, #tpu.memory_space<vmem>>
      %get3A_256 = arith.index_cast %add3A_251 : i32 to index
      %get3A_257 = arith.constant 0 : index
      %get3A_258 = tpu.vector_load %get3A_255[%get3A_256, %get3A_257] {strides = array<i32>} : memref<128x128xf32, #tpu.memory_space<vmem>>, vector<1x16xf32>,
      %get3A_259 = vector.shape_cast %get3A_258 : vector<1x16xf32> to vector<16xf32>
      %add3A_260 = arith.constant 64 : i32
      %add3A_261 = arith.addi %add3A_260, %scan3A_132 : i32
      %get3A_262 = arith.index_cast %add3A_261 : i32 to index
      %get3A_263 = arith.constant 64 : index
      %get3A_264 = tpu.vector_load %arg9[%get3A_262, %get3A_263] {strides = array<i32>} : memref<128x128xf32, #tpu.memory_space<vmem>>, vector<1x16xf32>,
      %get3A_265 = vector.shape_cast %get3A_264 : vector<1x16xf32> to vector<16xf32>
      %sub3A_266 = arith.subf %get3A_259, %get3A_265 : vector<16xf32>
      %sub3A_267 = arith.subf %get3A_265, %sub3A_266 : vector<16xf32>
      %add3A_268 = arith.constant 64 : i32
      %add3A_269 = arith.addi %add3A_268, %scan3A_132 : i32
      %swap3A_270 = arith.index_cast %add3A_269 : i32 to index
      %swap3A_271 = arith.constant 64 : index
      %swap3A_272 = tpu.vector_load %arg10[%swap3A_270, %swap3A_271] {strides = array<i32>} : memref<128x128xf32, #tpu.memory_space<vmem>>, vector<1x16xf32>,
      %swap3A_273 = vector.shape_cast %swap3A_272 : vector<1x16xf32> to vector<16xf32>
      %swap3A_274 = vector.shape_cast %sub3A_267 : vector<16xf32> to vector<1x16xf32>
      tpu.vector_store %arg10[%swap3A_270, %swap3A_271], %swap3A_274 {strides = array<i32>} : memref<128x128xf32, #tpu.memory_space<vmem>>, vector<1x16xf32>,
      %mul3A_275 = arith.mulf %sub3A_266, %sub3A_266 : vector<16xf32>
      %add3A_276 = arith.addf %add3A_247, %mul3A_275 : vector<16xf32>
      %mul3A_277 = arith.constant 4 : i32
      %mul3A_278 = arith.muli %scan3A_132, %mul3A_277 : i32
      %add3A_279 = arith.constant 2 : i32
      %add3A_280 = arith.addi %mul3A_278, %add3A_279 : i32
      %get3A_281 = arith.constant 0 : i32
      %get3A_282 = arith.constant 0 : i32
      %get3A_283 = tpu.memref_slice %arg8[%scan3A_101, %get3A_281, %get3A_282] : memref<2x128x128xf32, #tpu.memory_space<vmem>> -> memref<1x128x128xf32, #tpu.memory_space<vmem>>
      %get3A_284 = tpu.memref_squeeze %get3A_283 : memref<1x128x128xf32, #tpu.memory_space<vmem>> -> memref<128x128xf32, #tpu.memory_space<vmem>>
      %get3A_285 = arith.index_cast %add3A_280 : i32 to index
      %get3A_286 = arith.constant 16 : index
      %get3A_287 = tpu.vector_load %get3A_284[%get3A_285, %get3A_286] {strides = array<i32>} : memref<128x128xf32, #tpu.memory_space<vmem>>, vector<1x16xf32>,
      %get3A_288 = vector.shape_cast %get3A_287 : vector<1x16xf32> to vector<16xf32>
      %add3A_289 = arith.constant 64 : i32
      %add3A_290 = arith.addi %add3A_289, %scan3A_132 : i32
      %get3A_291 = arith.index_cast %add3A_290 : i32 to index
      %get3A_292 = arith.constant 80 : index
      %get3A_293 = tpu.vector_load %arg9[%get3A_291, %get3A_292] {strides = array<i32>} : memref<128x128xf32, #tpu.memory_space<vmem>>, vector<1x16xf32>,
      %get3A_294 = vector.shape_cast %get3A_293 : vector<1x16xf32> to vector<16xf32>
      %sub3A_295 = arith.subf %get3A_288, %get3A_294 : vector<16xf32>
      %sub3A_296 = arith.subf %get3A_294, %sub3A_295 : vector<16xf32>
      %add3A_297 = arith.constant 64 : i32
      %add3A_298 = arith.addi %add3A_297, %scan3A_132 : i32
      %swap3A_299 = arith.index_cast %add3A_298 : i32 to index
      %swap3A_300 = arith.constant 80 : index
      %swap3A_301 = tpu.vector_load %arg10[%swap3A_299, %swap3A_300] {strides = array<i32>} : memref<128x128xf32, #tpu.memory_space<vmem>>, vector<1x16xf32>,
      %swap3A_302 = vector.shape_cast %swap3A_301 : vector<1x16xf32> to vector<16xf32>
      %swap3A_303 = vector.shape_cast %sub3A_296 : vector<16xf32> to vector<1x16xf32>
      tpu.vector_store %arg10[%swap3A_299, %swap3A_300], %swap3A_303 {strides = array<i32>} : memref<128x128xf32, #tpu.memory_space<vmem>>, vector<1x16xf32>,
      %mul3A_304 = arith.mulf %sub3A_295, %sub3A_295 : vector<16xf32>
      %add3A_305 = arith.addf %add3A_276, %mul3A_304 : vector<16xf32>
      %mul3A_306 = arith.constant 4 : i32
      %mul3A_307 = arith.muli %scan3A_132, %mul3A_306 : i32
      %add3A_308 = arith.constant 3 : i32
      %add3A_309 = arith.addi %mul3A_307, %add3A_308 : i32
      %get3A_310 = arith.constant 0 : i32
      %get3A_311 = arith.constant 0 : i32
      %get3A_312 = tpu.memref_slice %arg8[%scan3A_101, %get3A_310, %get3A_311] : memref<2x128x128xf32, #tpu.memory_space<vmem>> -> memref<1x128x128xf32, #tpu.memory_space<vmem>>
      %get3A_313 = tpu.memref_squeeze %get3A_312 : memref<1x128x128xf32, #tpu.memory_space<vmem>> -> memref<128x128xf32, #tpu.memory_space<vmem>>
      %get3A_314 = arith.index_cast %add3A_309 : i32 to index
      %get3A_315 = arith.constant 0 : index
      %get3A_316 = tpu.vector_load %get3A_313[%get3A_314, %get3A_315] {strides = array<i32>} : memref<128x128xf32, #tpu.memory_space<vmem>>, vector<1x16xf32>,
      %get3A_317 = vector.shape_cast %get3A_316 : vector<1x16xf32> to vector<16xf32>
      %add3A_318 = arith.constant 64 : i32
      %add3A_319 = arith.addi %add3A_318, %scan3A_132 : i32
      %get3A_320 = arith.index_cast %add3A_319 : i32 to index
      %get3A_321 = arith.constant 96 : index
      %get3A_322 = tpu.vector_load %arg9[%get3A_320, %get3A_321] {strides = array<i32>} : memref<128x128xf32, #tpu.memory_space<vmem>>, vector<1x16xf32>,
      %get3A_323 = vector.shape_cast %get3A_322 : vector<1x16xf32> to vector<16xf32>
      %sub3A_324 = arith.subf %get3A_317, %get3A_323 : vector<16xf32>
      %sub3A_325 = arith.subf %get3A_323, %sub3A_324 : vector<16xf32>
      %add3A_326 = arith.constant 64 : i32
      %add3A_327 = arith.addi %add3A_326, %scan3A_132 : i32
      %swap3A_328 = arith.index_cast %add3A_327 : i32 to index
      %swap3A_329 = arith.constant 96 : index
      %swap3A_330 = tpu.vector_load %arg10[%swap3A_328, %swap3A_329] {strides = array<i32>} : memref<128x128xf32, #tpu.memory_space<vmem>>, vector<1x16xf32>,
      %swap3A_331 = vector.shape_cast %swap3A_330 : vector<1x16xf32> to vector<16xf32>
      %swap3A_332 = vector.shape_cast %sub3A_325 : vector<16xf32> to vector<1x16xf32>
      tpu.vector_store %arg10[%swap3A_328, %swap3A_329], %swap3A_332 {strides = array<i32>} : memref<128x128xf32, #tpu.memory_space<vmem>>, vector<1x16xf32>,
      %mul3A_333 = arith.mulf %sub3A_324, %sub3A_324 : vector<16xf32>
      %add3A_334 = arith.addf %add3A_305, %mul3A_333 : vector<16xf32>
      %mul3A_335 = arith.constant 4 : i32
      %mul3A_336 = arith.muli %scan3A_132, %mul3A_335 : i32
      %add3A_337 = arith.constant 3 : i32
      %add3A_338 = arith.addi %mul3A_336, %add3A_337 : i32
      %get3A_339 = arith.constant 0 : i32
      %get3A_340 = arith.constant 0 : i32
      %get3A_341 = tpu.memref_slice %arg8[%scan3A_101, %get3A_339, %get3A_340] : memref<2x128x128xf32, #tpu.memory_space<vmem>> -> memref<1x128x128xf32, #tpu.memory_space<vmem>>
      %get3A_342 = tpu.memref_squeeze %get3A_341 : memref<1x128x128xf32, #tpu.memory_space<vmem>> -> memref<128x128xf32, #tpu.memory_space<vmem>>
      %get3A_343 = arith.index_cast %add3A_338 : i32 to index
      %get3A_344 = arith.constant 16 : index
      %get3A_345 = tpu.vector_load %get3A_342[%get3A_343, %get3A_344] {strides = array<i32>} : memref<128x128xf32, #tpu.memory_space<vmem>>, vector<1x16xf32>,
      %get3A_346 = vector.shape_cast %get3A_345 : vector<1x16xf32> to vector<16xf32>
      %add3A_347 = arith.constant 64 : i32
      %add3A_348 = arith.addi %add3A_347, %scan3A_132 : i32
      %get3A_349 = arith.index_cast %add3A_348 : i32 to index
      %get3A_350 = arith.constant 112 : index
      %get3A_351 = tpu.vector_load %arg9[%get3A_349, %get3A_350] {strides = array<i32>} : memref<128x128xf32, #tpu.memory_space<vmem>>, vector<1x16xf32>,
      %get3A_352 = vector.shape_cast %get3A_351 : vector<1x16xf32> to vector<16xf32>
      %sub3A_353 = arith.subf %get3A_346, %get3A_352 : vector<16xf32>
      %sub3A_354 = arith.subf %get3A_352, %sub3A_353 : vector<16xf32>
      %add3A_355 = arith.constant 64 : i32
      %add3A_356 = arith.addi %add3A_355, %scan3A_132 : i32
      %swap3A_357 = arith.index_cast %add3A_356 : i32 to index
      %swap3A_358 = arith.constant 112 : index
      %swap3A_359 = tpu.vector_load %arg10[%swap3A_357, %swap3A_358] {strides = array<i32>} : memref<128x128xf32, #tpu.memory_space<vmem>>, vector<1x16xf32>,
      %swap3A_360 = vector.shape_cast %swap3A_359 : vector<1x16xf32> to vector<16xf32>
      %swap3A_361 = vector.shape_cast %sub3A_354 : vector<16xf32> to vector<1x16xf32>
      tpu.vector_store %arg10[%swap3A_357, %swap3A_358], %swap3A_361 {strides = array<i32>} : memref<128x128xf32, #tpu.memory_space<vmem>>, vector<1x16xf32>,
      %mul3A_362 = arith.mulf %sub3A_353, %sub3A_353 : vector<16xf32>
      %add3A_363 = arith.addf %add3A_334, %mul3A_362 : vector<16xf32>
      scf.yield %add3A_363 : vector<16xf32>
    }
    %scan3A_107 = arith.constant 32 : i32
    %dma_wait3A_108 = arith.constant 3 : i32
    %dma_wait3A_109 = arith.constant 1 : i32
    %dma_wait3A_110 = arith.constant 0 : i32
    %dma_wait3A_111 = arith.constant 0 : i32
    %dma_wait3A_112 = tpu.memref_slice %arg8[%dma_wait3A_109, %dma_wait3A_110, %dma_wait3A_111] : memref<2x128x128xf32, #tpu.memory_space<vmem>> -> memref<1x128x128xf32, #tpu.memory_space<vmem>>
    %dma_wait3A_113 = tpu.memref_squeeze %dma_wait3A_112 : memref<1x128x128xf32, #tpu.memory_space<vmem>> -> memref<128x128xf32, #tpu.memory_space<vmem>>
    %dma_wait3A_114 = arith.constant 0 : i32
    %dma_wait3A_115 = tpu.memref_slice %arg7[%dma_wait3A_108, %dma_wait3A_114] : memref<4x128xi32, #tpu.memory_space<vmem>> -> memref<1x128xi32, #tpu.memory_space<vmem>>
    %dma_wait3A_116 = tpu.memref_squeeze %dma_wait3A_115 : memref<1x128xi32, #tpu.memory_space<vmem>> -> memref<128xi32, #tpu.memory_space<vmem>>
    %dma_wait3A_117 = arith.constant 0 : i32
    %dma_wait3A_118 = arith.constant 0 : i32
    %dma_wait3A_119 = tpu.memref_slice %arg2[%dma_wait3A_117, %dma_wait3A_118] : memref<8192x128xf32, #tpu.memory_space<hbm>> -> memref<8192x128xf32, #tpu.memory_space<hbm>>
    tpu.wait_indirect_dma semaphore(%arg13 : memref<!tpu.dma_semaphore, #tpu.memory_space<semaphore_mem>>) src(%dma_wait3A_119 : memref<8192x128xf32, #tpu.memory_space<hbm>>) dst(%dma_wait3A_113 : memref<128x128xf32, #tpu.memory_space<vmem>>)
    %scan3A_120 = arith.constant 1 : i32
    %scan3A_121 = arith.constant 0 : i32
    %scan3A_122 = arith.constant 32 : i32
    %scan3A_123 = arith.addi %scan3A_121, %scan3A_122 : i32
    %scan3A_124 = arith.constant 1 : i32
    %scan3A_125 = scf.for %scan3A_132 = %scan3A_121 to %scan3A_123 step %scan3A_124 iter_args(%scan3A_133 = %scan3A_106) -> (vector<16xf32>)  : i32 {
      %mul3A_134 = arith.constant 4 : i32
      %mul3A_135 = arith.muli %scan3A_132, %mul3A_134 : i32
      %add3A_136 = arith.constant 0 : i32
      %add3A_137 = arith.addi %mul3A_135, %add3A_136 : i32
      %get3A = arith.constant 0 : i32
      %get3A_138 = arith.constant 0 : i32
      %get3A_139 = tpu.memref_slice %arg8[%scan3A_120, %get3A, %get3A_138] : memref<2x128x128xf32, #tpu.memory_space<vmem>> -> memref<1x128x128xf32, #tpu.memory_space<vmem>>
      %get3A_140 = tpu.memref_squeeze %get3A_139 : memref<1x128x128xf32, #tpu.memory_space<vmem>> -> memref<128x128xf32, #tpu.memory_space<vmem>>
      %get3A_141 = arith.index_cast %add3A_137 : i32 to index
      %get3A_142 = arith.constant 0 : index
      %get3A_143 = tpu.vector_load %get3A_140[%get3A_141, %get3A_142] {strides = array<i32>} : memref<128x128xf32, #tpu.memory_space<vmem>>, vector<1x16xf32>,
      %get3A_144 = vector.shape_cast %get3A_143 : vector<1x16xf32> to vector<16xf32>
      %add3A_145 = arith.constant 96 : i32
      %add3A_146 = arith.addi %add3A_145, %scan3A_132 : i32
      %get3A_147 = arith.index_cast %add3A_146 : i32 to index
      %get3A_148 = arith.constant 0 : index
      %get3A_149 = tpu.vector_load %arg9[%get3A_147, %get3A_148] {strides = array<i32>} : memref<128x128xf32, #tpu.memory_space<vmem>>, vector<1x16xf32>,
      %get3A_150 = vector.shape_cast %get3A_149 : vector<1x16xf32> to vector<16xf32>
      %sub3A = arith.subf %get3A_144, %get3A_150 : vector<16xf32>
      %sub3A_151 = arith.subf %get3A_150, %sub3A : vector<16xf32>
      %add3A_152 = arith.constant 96 : i32
      %add3A_153 = arith.addi %add3A_152, %scan3A_132 : i32
      %swap3A_154 = arith.index_cast %add3A_153 : i32 to index
      %swap3A_155 = arith.constant 0 : index
      %swap3A_156 = tpu.vector_load %arg10[%swap3A_154, %swap3A_155] {strides = array<i32>} : memref<128x128xf32, #tpu.memory_space<vmem>>, vector<1x16xf32>,
      %swap3A_157 = vector.shape_cast %swap3A_156 : vector<1x16xf32> to vector<16xf32>
      %swap3A_158 = vector.shape_cast %sub3A_151 : vector<16xf32> to vector<1x16xf32>
      tpu.vector_store %arg10[%swap3A_154, %swap3A_155], %swap3A_158 {strides = array<i32>} : memref<128x128xf32, #tpu.memory_space<vmem>>, vector<1x16xf32>,
      %mul3A_159 = arith.mulf %sub3A, %sub3A : vector<16xf32>
      %add3A_160 = arith.addf %scan3A_133, %mul3A_159 : vector<16xf32>
      %mul3A_161 = arith.constant 4 : i32
      %mul3A_162 = arith.muli %scan3A_132, %mul3A_161 : i32
      %add3A_163 = arith.constant 0 : i32
      %add3A_164 = arith.addi %mul3A_162, %add3A_163 : i32
      %get3A_165 = arith.constant 0 : i32
      %get3A_166 = arith.constant 0 : i32
      %get3A_167 = tpu.memref_slice %arg8[%scan3A_120, %get3A_165, %get3A_166] : memref<2x128x128xf32, #tpu.memory_space<vmem>> -> memref<1x128x128xf32, #tpu.memory_space<vmem>>
      %get3A_168 = tpu.memref_squeeze %get3A_167 : memref<1x128x128xf32, #tpu.memory_space<vmem>> -> memref<128x128xf32, #tpu.memory_space<vmem>>
      %get3A_169 = arith.index_cast %add3A_164 : i32 to index
      %get3A_170 = arith.constant 16 : index
      %get3A_171 = tpu.vector_load %get3A_168[%get3A_169, %get3A_170] {strides = array<i32>} : memref<128x128xf32, #tpu.memory_space<vmem>>, vector<1x16xf32>,
      %get3A_172 = vector.shape_cast %get3A_171 : vector<1x16xf32> to vector<16xf32>
      %add3A_173 = arith.constant 96 : i32
      %add3A_174 = arith.addi %add3A_173, %scan3A_132 : i32
      %get3A_175 = arith.index_cast %add3A_174 : i32 to index
      %get3A_176 = arith.constant 16 : index
      %get3A_177 = tpu.vector_load %arg9[%get3A_175, %get3A_176] {strides = array<i32>} : memref<128x128xf32, #tpu.memory_space<vmem>>, vector<1x16xf32>,
      %get3A_178 = vector.shape_cast %get3A_177 : vector<1x16xf32> to vector<16xf32>
      %sub3A_179 = arith.subf %get3A_172, %get3A_178 : vector<16xf32>
      %sub3A_180 = arith.subf %get3A_178, %sub3A_179 : vector<16xf32>
      %add3A_181 = arith.constant 96 : i32
      %add3A_182 = arith.addi %add3A_181, %scan3A_132 : i32
      %swap3A_183 = arith.index_cast %add3A_182 : i32 to index
      %swap3A_184 = arith.constant 16 : index
      %swap3A_185 = tpu.vector_load %arg10[%swap3A_183, %swap3A_184] {strides = array<i32>} : memref<128x128xf32, #tpu.memory_space<vmem>>, vector<1x16xf32>,
      %swap3A_186 = vector.shape_cast %swap3A_185 : vector<1x16xf32> to vector<16xf32>
      %swap3A_187 = vector.shape_cast %sub3A_180 : vector<16xf32> to vector<1x16xf32>
      tpu.vector_store %arg10[%swap3A_183, %swap3A_184], %swap3A_187 {strides = array<i32>} : memref<128x128xf32, #tpu.memory_space<vmem>>, vector<1x16xf32>,
      %mul3A_188 = arith.mulf %sub3A_179, %sub3A_179 : vector<16xf32>
      %add3A_189 = arith.addf %add3A_160, %mul3A_188 : vector<16xf32>
      %mul3A_190 = arith.constant 4 : i32
      %mul3A_191 = arith.muli %scan3A_132, %mul3A_190 : i32
      %add3A_192 = arith.constant 1 : i32
      %add3A_193 = arith.addi %mul3A_191, %add3A_192 : i32
      %get3A_194 = arith.constant 0 : i32
      %get3A_195 = arith.constant 0 : i32
      %get3A_196 = tpu.memref_slice %arg8[%scan3A_120, %get3A_194, %get3A_195] : memref<2x128x128xf32, #tpu.memory_space<vmem>> -> memref<1x128x128xf32, #tpu.memory_space<vmem>>
      %get3A_197 = tpu.memref_squeeze %get3A_196 : memref<1x128x128xf32, #tpu.memory_space<vmem>> -> memref<128x128xf32, #tpu.memory_space<vmem>>
      %get3A_198 = arith.index_cast %add3A_193 : i32 to index
      %get3A_199 = arith.constant 0 : index
      %get3A_200 = tpu.vector_load %get3A_197[%get3A_198, %get3A_199] {strides = array<i32>} : memref<128x128xf32, #tpu.memory_space<vmem>>, vector<1x16xf32>,
      %get3A_201 = vector.shape_cast %get3A_200 : vector<1x16xf32> to vector<16xf32>
      %add3A_202 = arith.constant 96 : i32
      %add3A_203 = arith.addi %add3A_202, %scan3A_132 : i32
      %get3A_204 = arith.index_cast %add3A_203 : i32 to index
      %get3A_205 = arith.constant 32 : index
      %get3A_206 = tpu.vector_load %arg9[%get3A_204, %get3A_205] {strides = array<i32>} : memref<128x128xf32, #tpu.memory_space<vmem>>, vector<1x16xf32>,
      %get3A_207 = vector.shape_cast %get3A_206 : vector<1x16xf32> to vector<16xf32>
      %sub3A_208 = arith.subf %get3A_201, %get3A_207 : vector<16xf32>
      %sub3A_209 = arith.subf %get3A_207, %sub3A_208 : vector<16xf32>
      %add3A_210 = arith.constant 96 : i32
      %add3A_211 = arith.addi %add3A_210, %scan3A_132 : i32
      %swap3A_212 = arith.index_cast %add3A_211 : i32 to index
      %swap3A_213 = arith.constant 32 : index
      %swap3A_214 = tpu.vector_load %arg10[%swap3A_212, %swap3A_213] {strides = array<i32>} : memref<128x128xf32, #tpu.memory_space<vmem>>, vector<1x16xf32>,
      %swap3A_215 = vector.shape_cast %swap3A_214 : vector<1x16xf32> to vector<16xf32>
      %swap3A_216 = vector.shape_cast %sub3A_209 : vector<16xf32> to vector<1x16xf32>
      tpu.vector_store %arg10[%swap3A_212, %swap3A_213], %swap3A_216 {strides = array<i32>} : memref<128x128xf32, #tpu.memory_space<vmem>>, vector<1x16xf32>,
      %mul3A_217 = arith.mulf %sub3A_208, %sub3A_208 : vector<16xf32>
      %add3A_218 = arith.addf %add3A_189, %mul3A_217 : vector<16xf32>
      %mul3A_219 = arith.constant 4 : i32
      %mul3A_220 = arith.muli %scan3A_132, %mul3A_219 : i32
      %add3A_221 = arith.constant 1 : i32
      %add3A_222 = arith.addi %mul3A_220, %add3A_221 : i32
      %get3A_223 = arith.constant 0 : i32
      %get3A_224 = arith.constant 0 : i32
      %get3A_225 = tpu.memref_slice %arg8[%scan3A_120, %get3A_223, %get3A_224] : memref<2x128x128xf32, #tpu.memory_space<vmem>> -> memref<1x128x128xf32, #tpu.memory_space<vmem>>
      %get3A_226 = tpu.memref_squeeze %get3A_225 : memref<1x128x128xf32, #tpu.memory_space<vmem>> -> memref<128x128xf32, #tpu.memory_space<vmem>>
      %get3A_227 = arith.index_cast %add3A_222 : i32 to index
      %get3A_228 = arith.constant 16 : index
      %get3A_229 = tpu.vector_load %get3A_226[%get3A_227, %get3A_228] {strides = array<i32>} : memref<128x128xf32, #tpu.memory_space<vmem>>, vector<1x16xf32>,
      %get3A_230 = vector.shape_cast %get3A_229 : vector<1x16xf32> to vector<16xf32>
      %add3A_231 = arith.constant 96 : i32
      %add3A_232 = arith.addi %add3A_231, %scan3A_132 : i32
      %get3A_233 = arith.index_cast %add3A_232 : i32 to index
      %get3A_234 = arith.constant 48 : index
      %get3A_235 = tpu.vector_load %arg9[%get3A_233, %get3A_234] {strides = array<i32>} : memref<128x128xf32, #tpu.memory_space<vmem>>, vector<1x16xf32>,
      %get3A_236 = vector.shape_cast %get3A_235 : vector<1x16xf32> to vector<16xf32>
      %sub3A_237 = arith.subf %get3A_230, %get3A_236 : vector<16xf32>
      %sub3A_238 = arith.subf %get3A_236, %sub3A_237 : vector<16xf32>
      %add3A_239 = arith.constant 96 : i32
      %add3A_240 = arith.addi %add3A_239, %scan3A_132 : i32
      %swap3A_241 = arith.index_cast %add3A_240 : i32 to index
      %swap3A_242 = arith.constant 48 : index
      %swap3A_243 = tpu.vector_load %arg10[%swap3A_241, %swap3A_242] {strides = array<i32>} : memref<128x128xf32, #tpu.memory_space<vmem>>, vector<1x16xf32>,
      %swap3A_244 = vector.shape_cast %swap3A_243 : vector<1x16xf32> to vector<16xf32>
      %swap3A_245 = vector.shape_cast %sub3A_238 : vector<16xf32> to vector<1x16xf32>
      tpu.vector_store %arg10[%swap3A_241, %swap3A_242], %swap3A_245 {strides = array<i32>} : memref<128x128xf32, #tpu.memory_space<vmem>>, vector<1x16xf32>,
      %mul3A_246 = arith.mulf %sub3A_237, %sub3A_237 : vector<16xf32>
      %add3A_247 = arith.addf %add3A_218, %mul3A_246 : vector<16xf32>
      %mul3A_248 = arith.constant 4 : i32
      %mul3A_249 = arith.muli %scan3A_132, %mul3A_248 : i32
      %add3A_250 = arith.constant 2 : i32
      %add3A_251 = arith.addi %mul3A_249, %add3A_250 : i32
      %get3A_252 = arith.constant 0 : i32
      %get3A_253 = arith.constant 0 : i32
      %get3A_254 = tpu.memref_slice %arg8[%scan3A_120, %get3A_252, %get3A_253] : memref<2x128x128xf32, #tpu.memory_space<vmem>> -> memref<1x128x128xf32, #tpu.memory_space<vmem>>
      %get3A_255 = tpu.memref_squeeze %get3A_254 : memref<1x128x128xf32, #tpu.memory_space<vmem>> -> memref<128x128xf32, #tpu.memory_space<vmem>>
      %get3A_256 = arith.index_cast %add3A_251 : i32 to index
      %get3A_257 = arith.constant 0 : index
      %get3A_258 = tpu.vector_load %get3A_255[%get3A_256, %get3A_257] {strides = array<i32>} : memref<128x128xf32, #tpu.memory_space<vmem>>, vector<1x16xf32>,
      %get3A_259 = vector.shape_cast %get3A_258 : vector<1x16xf32> to vector<16xf32>
      %add3A_260 = arith.constant 96 : i32
      %add3A_261 = arith.addi %add3A_260, %scan3A_132 : i32
      %get3A_262 = arith.index_cast %add3A_261 : i32 to index
      %get3A_263 = arith.constant 64 : index
      %get3A_264 = tpu.vector_load %arg9[%get3A_262, %get3A_263] {strides = array<i32>} : memref<128x128xf32, #tpu.memory_space<vmem>>, vector<1x16xf32>,
      %get3A_265 = vector.shape_cast %get3A_264 : vector<1x16xf32> to vector<16xf32>
      %sub3A_266 = arith.subf %get3A_259, %get3A_265 : vector<16xf32>
      %sub3A_267 = arith.subf %get3A_265, %sub3A_266 : vector<16xf32>
      %add3A_268 = arith.constant 96 : i32
      %add3A_269 = arith.addi %add3A_268, %scan3A_132 : i32
      %swap3A_270 = arith.index_cast %add3A_269 : i32 to index
      %swap3A_271 = arith.constant 64 : index
      %swap3A_272 = tpu.vector_load %arg10[%swap3A_270, %swap3A_271] {strides = array<i32>} : memref<128x128xf32, #tpu.memory_space<vmem>>, vector<1x16xf32>,
      %swap3A_273 = vector.shape_cast %swap3A_272 : vector<1x16xf32> to vector<16xf32>
      %swap3A_274 = vector.shape_cast %sub3A_267 : vector<16xf32> to vector<1x16xf32>
      tpu.vector_store %arg10[%swap3A_270, %swap3A_271], %swap3A_274 {strides = array<i32>} : memref<128x128xf32, #tpu.memory_space<vmem>>, vector<1x16xf32>,
      %mul3A_275 = arith.mulf %sub3A_266, %sub3A_266 : vector<16xf32>
      %add3A_276 = arith.addf %add3A_247, %mul3A_275 : vector<16xf32>
      %mul3A_277 = arith.constant 4 : i32
      %mul3A_278 = arith.muli %scan3A_132, %mul3A_277 : i32
      %add3A_279 = arith.constant 2 : i32
      %add3A_280 = arith.addi %mul3A_278, %add3A_279 : i32
      %get3A_281 = arith.constant 0 : i32
      %get3A_282 = arith.constant 0 : i32
      %get3A_283 = tpu.memref_slice %arg8[%scan3A_120, %get3A_281, %get3A_282] : memref<2x128x128xf32, #tpu.memory_space<vmem>> -> memref<1x128x128xf32, #tpu.memory_space<vmem>>
      %get3A_284 = tpu.memref_squeeze %get3A_283 : memref<1x128x128xf32, #tpu.memory_space<vmem>> -> memref<128x128xf32, #tpu.memory_space<vmem>>
      %get3A_285 = arith.index_cast %add3A_280 : i32 to index
      %get3A_286 = arith.constant 16 : index
      %get3A_287 = tpu.vector_load %get3A_284[%get3A_285, %get3A_286] {strides = array<i32>} : memref<128x128xf32, #tpu.memory_space<vmem>>, vector<1x16xf32>,
      %get3A_288 = vector.shape_cast %get3A_287 : vector<1x16xf32> to vector<16xf32>
      %add3A_289 = arith.constant 96 : i32
      %add3A_290 = arith.addi %add3A_289, %scan3A_132 : i32
      %get3A_291 = arith.index_cast %add3A_290 : i32 to index
      %get3A_292 = arith.constant 80 : index
      %get3A_293 = tpu.vector_load %arg9[%get3A_291, %get3A_292] {strides = array<i32>} : memref<128x128xf32, #tpu.memory_space<vmem>>, vector<1x16xf32>,
      %get3A_294 = vector.shape_cast %get3A_293 : vector<1x16xf32> to vector<16xf32>
      %sub3A_295 = arith.subf %get3A_288, %get3A_294 : vector<16xf32>
      %sub3A_296 = arith.subf %get3A_294, %sub3A_295 : vector<16xf32>
      %add3A_297 = arith.constant 96 : i32
      %add3A_298 = arith.addi %add3A_297, %scan3A_132 : i32
      %swap3A_299 = arith.index_cast %add3A_298 : i32 to index
      %swap3A_300 = arith.constant 80 : index
      %swap3A_301 = tpu.vector_load %arg10[%swap3A_299, %swap3A_300] {strides = array<i32>} : memref<128x128xf32, #tpu.memory_space<vmem>>, vector<1x16xf32>,
      %swap3A_302 = vector.shape_cast %swap3A_301 : vector<1x16xf32> to vector<16xf32>
      %swap3A_303 = vector.shape_cast %sub3A_296 : vector<16xf32> to vector<1x16xf32>
      tpu.vector_store %arg10[%swap3A_299, %swap3A_300], %swap3A_303 {strides = array<i32>} : memref<128x128xf32, #tpu.memory_space<vmem>>, vector<1x16xf32>,
      %mul3A_304 = arith.mulf %sub3A_295, %sub3A_295 : vector<16xf32>
      %add3A_305 = arith.addf %add3A_276, %mul3A_304 : vector<16xf32>
      %mul3A_306 = arith.constant 4 : i32
      %mul3A_307 = arith.muli %scan3A_132, %mul3A_306 : i32
      %add3A_308 = arith.constant 3 : i32
      %add3A_309 = arith.addi %mul3A_307, %add3A_308 : i32
      %get3A_310 = arith.constant 0 : i32
      %get3A_311 = arith.constant 0 : i32
      %get3A_312 = tpu.memref_slice %arg8[%scan3A_120, %get3A_310, %get3A_311] : memref<2x128x128xf32, #tpu.memory_space<vmem>> -> memref<1x128x128xf32, #tpu.memory_space<vmem>>
      %get3A_313 = tpu.memref_squeeze %get3A_312 : memref<1x128x128xf32, #tpu.memory_space<vmem>> -> memref<128x128xf32, #tpu.memory_space<vmem>>
      %get3A_314 = arith.index_cast %add3A_309 : i32 to index
      %get3A_315 = arith.constant 0 : index
      %get3A_316 = tpu.vector_load %get3A_313[%get3A_314, %get3A_315] {strides = array<i32>} : memref<128x128xf32, #tpu.memory_space<vmem>>, vector<1x16xf32>,
      %get3A_317 = vector.shape_cast %get3A_316 : vector<1x16xf32> to vector<16xf32>
      %add3A_318 = arith.constant 96 : i32
      %add3A_319 = arith.addi %add3A_318, %scan3A_132 : i32
      %get3A_320 = arith.index_cast %add3A_319 : i32 to index
      %get3A_321 = arith.constant 96 : index
      %get3A_322 = tpu.vector_load %arg9[%get3A_320, %get3A_321] {strides = array<i32>} : memref<128x128xf32, #tpu.memory_space<vmem>>, vector<1x16xf32>,
      %get3A_323 = vector.shape_cast %get3A_322 : vector<1x16xf32> to vector<16xf32>
      %sub3A_324 = arith.subf %get3A_317, %get3A_323 : vector<16xf32>
      %sub3A_325 = arith.subf %get3A_323, %sub3A_324 : vector<16xf32>
      %add3A_326 = arith.constant 96 : i32
      %add3A_327 = arith.addi %add3A_326, %scan3A_132 : i32
      %swap3A_328 = arith.index_cast %add3A_327 : i32 to index
      %swap3A_329 = arith.constant 96 : index
      %swap3A_330 = tpu.vector_load %arg10[%swap3A_328, %swap3A_329] {strides = array<i32>} : memref<128x128xf32, #tpu.memory_space<vmem>>, vector<1x16xf32>,
      %swap3A_331 = vector.shape_cast %swap3A_330 : vector<1x16xf32> to vector<16xf32>
      %swap3A_332 = vector.shape_cast %sub3A_325 : vector<16xf32> to vector<1x16xf32>
      tpu.vector_store %arg10[%swap3A_328, %swap3A_329], %swap3A_332 {strides = array<i32>} : memref<128x128xf32, #tpu.memory_space<vmem>>, vector<1x16xf32>,
      %mul3A_333 = arith.mulf %sub3A_324, %sub3A_324 : vector<16xf32>
      %add3A_334 = arith.addf %add3A_305, %mul3A_333 : vector<16xf32>
      %mul3A_335 = arith.constant 4 : i32
      %mul3A_336 = arith.muli %scan3A_132, %mul3A_335 : i32
      %add3A_337 = arith.constant 3 : i32
      %add3A_338 = arith.addi %mul3A_336, %add3A_337 : i32
      %get3A_339 = arith.constant 0 : i32
      %get3A_340 = arith.constant 0 : i32
      %get3A_341 = tpu.memref_slice %arg8[%scan3A_120, %get3A_339, %get3A_340] : memref<2x128x128xf32, #tpu.memory_space<vmem>> -> memref<1x128x128xf32, #tpu.memory_space<vmem>>
      %get3A_342 = tpu.memref_squeeze %get3A_341 : memref<1x128x128xf32, #tpu.memory_space<vmem>> -> memref<128x128xf32, #tpu.memory_space<vmem>>
      %get3A_343 = arith.index_cast %add3A_338 : i32 to index
      %get3A_344 = arith.constant 16 : index
      %get3A_345 = tpu.vector_load %get3A_342[%get3A_343, %get3A_344] {strides = array<i32>} : memref<128x128xf32, #tpu.memory_space<vmem>>, vector<1x16xf32>,
      %get3A_346 = vector.shape_cast %get3A_345 : vector<1x16xf32> to vector<16xf32>
      %add3A_347 = arith.constant 96 : i32
      %add3A_348 = arith.addi %add3A_347, %scan3A_132 : i32
      %get3A_349 = arith.index_cast %add3A_348 : i32 to index
      %get3A_350 = arith.constant 112 : index
      %get3A_351 = tpu.vector_load %arg9[%get3A_349, %get3A_350] {strides = array<i32>} : memref<128x128xf32, #tpu.memory_space<vmem>>, vector<1x16xf32>,
      %get3A_352 = vector.shape_cast %get3A_351 : vector<1x16xf32> to vector<16xf32>
      %sub3A_353 = arith.subf %get3A_346, %get3A_352 : vector<16xf32>
      %sub3A_354 = arith.subf %get3A_352, %sub3A_353 : vector<16xf32>
      %add3A_355 = arith.constant 96 : i32
      %add3A_356 = arith.addi %add3A_355, %scan3A_132 : i32
      %swap3A_357 = arith.index_cast %add3A_356 : i32 to index
      %swap3A_358 = arith.constant 112 : index
      %swap3A_359 = tpu.vector_load %arg10[%swap3A_357, %swap3A_358] {strides = array<i32>} : memref<128x128xf32, #tpu.memory_space<vmem>>, vector<1x16xf32>,
      %swap3A_360 = vector.shape_cast %swap3A_359 : vector<1x16xf32> to vector<16xf32>
      %swap3A_361 = vector.shape_cast %sub3A_354 : vector<16xf32> to vector<1x16xf32>
      tpu.vector_store %arg10[%swap3A_357, %swap3A_358], %swap3A_361 {strides = array<i32>} : memref<128x128xf32, #tpu.memory_space<vmem>>, vector<1x16xf32>,
      %mul3A_362 = arith.mulf %sub3A_353, %sub3A_353 : vector<16xf32>
      %add3A_363 = arith.addf %add3A_334, %mul3A_362 : vector<16xf32>
      scf.yield %add3A_363 : vector<16xf32>
    }
    %scan3A_126 = arith.constant 32 : i32
    %mul3A_127 = arith.constant 128 : i32
    %mul3A_128 = arith.muli %add3A, %mul3A_127 : i32
    "tpu.region"() ({
      %run_scoped3A = tpu.sem_alloc : memref<!tpu.dma_semaphore, #tpu.memory_space<semaphore_mem>>
      %dma_start3A_132 = arith.constant 0 : i32
      %dma_start3A_133 = tpu.memref_slice %arg5[%mul3A_128, %dma_start3A_132] : memref<4096x128xf32, #tpu.memory_space<hbm>> -> memref<128x128xf32, #tpu.memory_space<hbm>>
      %dma_start3A_134 = arith.constant 0 : i32
      %dma_start3A_135 = tpu.memref_slice %arg5[%mul3A_128, %dma_start3A_134] : memref<4096x128xf32, #tpu.memory_space<hbm>> -> memref<128x128xf32, #tpu.memory_space<hbm>>
      tpu.enqueue_dma source(%arg10 : memref<128x128xf32, #tpu.memory_space<vmem>>) target(%dma_start3A_135 : memref<128x128xf32, #tpu.memory_space<hbm>>) target_semaphore(%run_scoped3A : memref<!tpu.dma_semaphore, #tpu.memory_space<semaphore_mem>>)
      %dma_wait3A_136 = arith.constant 0 : i32
      %dma_wait3A_137 = tpu.memref_slice %arg5[%mul3A_128, %dma_wait3A_136] : memref<4096x128xf32, #tpu.memory_space<hbm>> -> memref<128x128xf32, #tpu.memory_space<hbm>>
      %dma_wait3A_138 = arith.constant 0 : i32
      %dma_wait3A_139 = tpu.memref_slice %arg5[%mul3A_128, %dma_wait3A_138] : memref<4096x128xf32, #tpu.memory_space<hbm>> -> memref<128x128xf32, #tpu.memory_space<hbm>>
      tpu.wait_dma2 semaphore(%run_scoped3A : memref<!tpu.dma_semaphore, #tpu.memory_space<semaphore_mem>>) src(%arg10 : memref<128x128xf32, #tpu.memory_space<vmem>>) dst(%dma_wait3A_139 : memref<128x128xf32, #tpu.memory_space<hbm>>)
      tpu.yield
    }) : () -> ()
    %swap3A = arith.constant 0 : index
    %swap3A_129 = tpu.vector_load %arg11[%swap3A] {strides = array<i32>} : memref<16xf32, #tpu.memory_space<vmem>>, vector<16xf32>,
    %swap3A_130 = vector.shape_cast %swap3A_129 : vector<16xf32> to vector<16xf32>
    %swap3A_131 = vector.shape_cast %scan3A_125 : vector<16xf32> to vector<16xf32>
    tpu.vector_store %arg11[%swap3A], %swap3A_131 {strides = array<i32>} : memref<16xf32, #tpu.memory_space<vmem>>, vector<16xf32>,
    "tpu.region"() ({
      %run_scoped3A = tpu.sem_alloc : memref<!tpu.dma_semaphore, #tpu.memory_space<semaphore_mem>>
      %dma_start3A_132 = arith.constant 0 : i32
      %dma_start3A_133 = tpu.memref_slice %arg6[%add3A, %dma_start3A_132] : memref<32x16xf32, #tpu.memory_space<hbm>> -> memref<1x16xf32, #tpu.memory_space<hbm>>
      %dma_start3A_134 = tpu.memref_squeeze %dma_start3A_133 : memref<1x16xf32, #tpu.memory_space<hbm>> -> memref<16xf32, #tpu.memory_space<hbm>>
      %dma_start3A_135 = arith.constant 0 : i32
      %dma_start3A_136 = tpu.memref_slice %arg6[%add3A, %dma_start3A_135] : memref<32x16xf32, #tpu.memory_space<hbm>> -> memref<1x16xf32, #tpu.memory_space<hbm>>
      %dma_start3A_137 = tpu.memref_squeeze %dma_start3A_136 : memref<1x16xf32, #tpu.memory_space<hbm>> -> memref<16xf32, #tpu.memory_space<hbm>>
      tpu.enqueue_dma source(%arg11 : memref<16xf32, #tpu.memory_space<vmem>>) target(%dma_start3A_137 : memref<16xf32, #tpu.memory_space<hbm>>) target_semaphore(%run_scoped3A : memref<!tpu.dma_semaphore, #tpu.memory_space<semaphore_mem>>)
      %dma_wait3A_138 = arith.constant 0 : i32
      %dma_wait3A_139 = tpu.memref_slice %arg6[%add3A, %dma_wait3A_138] : memref<32x16xf32, #tpu.memory_space<hbm>> -> memref<1x16xf32, #tpu.memory_space<hbm>>
      %dma_wait3A_140 = tpu.memref_squeeze %dma_wait3A_139 : memref<1x16xf32, #tpu.memory_space<hbm>> -> memref<16xf32, #tpu.memory_space<hbm>>
      %dma_wait3A_141 = arith.constant 0 : i32
      %dma_wait3A_142 = tpu.memref_slice %arg6[%add3A, %dma_wait3A_141] : memref<32x16xf32, #tpu.memory_space<hbm>> -> memref<1x16xf32, #tpu.memory_space<hbm>>
      %dma_wait3A_143 = tpu.memref_squeeze %dma_wait3A_142 : memref<1x16xf32, #tpu.memory_space<hbm>> -> memref<16xf32, #tpu.memory_space<hbm>>
      tpu.wait_dma2 semaphore(%run_scoped3A : memref<!tpu.dma_semaphore, #tpu.memory_space<semaphore_mem>>) src(%arg11 : memref<16xf32, #tpu.memory_space<vmem>>) dst(%dma_wait3A_143 : memref<16xf32, #tpu.memory_space<hbm>>)
      tpu.yield
    }) : () -> ()
    return
  }
}

module attributes {stable_mosaic.version = 14 : i64} {
  func.func @_argmin_body(%arg0: i32, %arg1: memref<1x32x1024xf32, #tpu.memory_space<vmem>>, %arg2: memref<8192x32xf32, #tpu.memory_space<vmem>>, %arg3: memref<1x1x1024xi32, #tpu.memory_space<vmem>>) attributes {dimension_semantics = [#tpu.dimension_semantics<arbitrary>], iteration_bounds = array<i64: 16>, scalar_prefetch = 0 : i64, scratch_operands = 0 : i64, tpu.core_type = #tpu.core_type<tc>, window_params = [{transform_indices = @transform_0, window_bounds = array<i64: 1, 32, 1024>}, {pipeline_mode = #tpu.pipeline_mode<synchronous>, transform_indices = @transform_1, window_bounds = array<i64: 8192, 32>}, {transform_indices = @transform_2, window_bounds = array<i64: 1, 1, 1024>}]} {
    %get3A = arith.constant 0 : index
    %get3A_0 = arith.constant 0 : index
    %get3A_1 = arith.constant 0 : index
    %get3A_2 = vector.load %arg1[%get3A, %get3A_0, %get3A_1] : memref<1x32x1024xf32, #tpu.memory_space<vmem>>, vector<1x32x1024xf32>
    %get3A_3 = vector.shape_cast %get3A_2 : vector<1x32x1024xf32> to vector<32x1024xf32>
    %mul3A = arith.mulf %get3A_3, %get3A_3 : vector<32x1024xf32>
    %reduce_sum3A = arith.constant dense<0.000000e+00> : vector<1024xf32>
    %reduce_sum3A_4 = vector.multi_reduction <add>, %mul3A, %reduce_sum3A [0] : vector<32x1024xf32> to vector<1024xf32>
    %broadcast_in_dim3A = vector.shape_cast %reduce_sum3A_4 : vector<1024xf32> to vector<1x1024xf32>
    %broadcast_in_dim3A_5 = arith.constant 0x7F800000 : f32
    %broadcast_in_dim3A_6 = vector.broadcast %broadcast_in_dim3A_5 : f32 to vector<1x1024xf32>
    %broadcast_in_dim3A_7 = arith.constant 0 : i32
    %broadcast_in_dim3A_8 = vector.broadcast %broadcast_in_dim3A_7 : i32 to vector<1x1024xi32>
    %iota3A = tpu.iota {dimensions = array<i32: 0>} : vector<1024x1024xi32>
    %convert_element_type3A = arith.truncf %get3A_3 : vector<32x1024xf32> to vector<32x1024xbf16>
    %get3A_9 = arith.constant 0 : index
    %get3A_10 = arith.constant 0 : index
    %get3A_11 = vector.load %arg2[%get3A_9, %get3A_10] : memref<8192x32xf32, #tpu.memory_space<vmem>>, vector<1024x32xf32>
    %mul3A_12 = arith.mulf %get3A_11, %get3A_11 : vector<1024x32xf32>
    %reduce_sum3A_13 = arith.constant dense<0.000000e+00> : vector<1024xf32>
    %reduce_sum3A_14 = vector.multi_reduction <add>, %mul3A_12, %reduce_sum3A_13 [1] : vector<1024x32xf32> to vector<1024xf32>
    %broadcast_in_dim3A_15 = vector.shape_cast %reduce_sum3A_14 : vector<1024xf32> to vector<1024x1xf32>
    %convert_element_type3A_16 = arith.truncf %get3A_11 : vector<1024x32xf32> to vector<1024x32xbf16>
    %dot_general3A = arith.constant dense<0.000000e+00> : vector<1024x1024xf32>
    %dot_general3A_17 = tpu.matmul %convert_element_type3A_16, %convert_element_type3A, %dot_general3A {dimension_numbers = #tpu.dot_dimension_numbers<[1], [0], [0], [1], [0, 0, 1, 1], [], []>, transpose_lhs_hint = false} : vector<1024x32xbf16>, vector<32x1024xbf16>, vector<1024x1024xf32> -> vector<1024x1024xf32>
    %add3A = vector.broadcast %broadcast_in_dim3A : vector<1x1024xf32> to vector<1024x1024xf32>
    %add3A_18 = vector.broadcast %broadcast_in_dim3A_15 : vector<1024x1xf32> to vector<1024x1024xf32>
    %add3A_19 = arith.addf %add3A, %add3A_18 : vector<1024x1024xf32>
    %mul3A_20 = arith.constant 2.000000e+00 : f32
    %mul3A_21 = vector.broadcast %mul3A_20 : f32 to vector<1024x1024xf32>
    %mul3A_22 = arith.mulf %mul3A_21, %dot_general3A_17 : vector<1024x1024xf32>
    %sub3A = arith.subf %add3A_19, %mul3A_22 : vector<1024x1024xf32>
    %max3A = arith.constant 0.000000e+00 : f32
    %max3A_23 = vector.broadcast %max3A : f32 to vector<1024x1024xf32>
    %max3A_24 = arith.maximumf %sub3A, %max3A_23 : vector<1024x1024xf32>
    %eq3A = arith.constant 0.000000e+00 : f32
    %eq3A_25 = vector.broadcast %eq3A : f32 to vector<1024x1024xf32>
    %eq3A_26 = arith.cmpf oeq, %max3A_24, %eq3A_25 : vector<1024x1024xf32>
    %rsqrt3A = math.rsqrt %max3A_24 : vector<1024x1024xf32>
    %mul3A_27 = arith.mulf %max3A_24, %rsqrt3A : vector<1024x1024xf32>
    %jit3A = arith.constant 0.000000e+00 : f32
    %broadcast_in_dim3A_28 = vector.broadcast %jit3A : f32 to vector<1024x1024xf32>
    %select_n3A = arith.select %eq3A_26, %broadcast_in_dim3A_28, %mul3A_27 : vector<1024x1024xi1>, vector<1024x1024xf32>
    %reduce_min3A = arith.constant dense<0x7F800000> : vector<1024xf32>
    %reduce_min3A_29 = vector.multi_reduction <minimumf>, %select_n3A, %reduce_min3A [0] : vector<1024x1024xf32> to vector<1024xf32>
    %broadcast_in_dim3A_30 = vector.shape_cast %reduce_min3A_29 : vector<1024xf32> to vector<1x1024xf32>
    %eq3A_31 = vector.broadcast %broadcast_in_dim3A_30 : vector<1x1024xf32> to vector<1024x1024xf32>
    %eq3A_32 = arith.cmpf oeq, %select_n3A, %eq3A_31 : vector<1024x1024xf32>
    %jit3A_33 = arith.constant 8192 : i32
    %broadcast_in_dim3A_34 = vector.broadcast %jit3A_33 : i32 to vector<1024x1024xi32>
    %select_n3A_35 = arith.select %eq3A_32, %iota3A, %broadcast_in_dim3A_34 : vector<1024x1024xi1>, vector<1024x1024xi32>
    %reduce_min3A_36 = arith.constant dense<2147483647> : vector<1024xi32>
    %reduce_min3A_37 = vector.multi_reduction <minsi>, %select_n3A_35, %reduce_min3A_36 [0] : vector<1024x1024xi32> to vector<1024xi32>
    %broadcast_in_dim3A_38 = vector.shape_cast %reduce_min3A_37 : vector<1024xi32> to vector<1x1024xi32>
    %add3A_39 = arith.constant 0 : i32
    %add3A_40 = vector.broadcast %add3A_39 : i32 to vector<1x1024xi32>
    %add3A_41 = arith.addi %add3A_40, %broadcast_in_dim3A_38 : vector<1x1024xi32>
    %lt3A = arith.cmpf olt, %broadcast_in_dim3A_30, %broadcast_in_dim3A_6 : vector<1x1024xf32>
    %select_n3A_42 = arith.select %lt3A, %broadcast_in_dim3A_30, %broadcast_in_dim3A_6 : vector<1x1024xi1>, vector<1x1024xf32>
    %select_n3A_43 = arith.select %lt3A, %add3A_41, %broadcast_in_dim3A_8 : vector<1x1024xi1>, vector<1x1024xi32>
    %get3A_44 = arith.constant 1024 : index
    %get3A_45 = arith.constant 0 : index
    %get3A_46 = vector.load %arg2[%get3A_44, %get3A_45] : memref<8192x32xf32, #tpu.memory_space<vmem>>, vector<1024x32xf32>
    %mul3A_47 = arith.mulf %get3A_46, %get3A_46 : vector<1024x32xf32>
    %reduce_sum3A_48 = arith.constant dense<0.000000e+00> : vector<1024xf32>
    %reduce_sum3A_49 = vector.multi_reduction <add>, %mul3A_47, %reduce_sum3A_48 [1] : vector<1024x32xf32> to vector<1024xf32>
    %broadcast_in_dim3A_50 = vector.shape_cast %reduce_sum3A_49 : vector<1024xf32> to vector<1024x1xf32>
    %convert_element_type3A_51 = arith.truncf %get3A_46 : vector<1024x32xf32> to vector<1024x32xbf16>
    %dot_general3A_52 = arith.constant dense<0.000000e+00> : vector<1024x1024xf32>
    %dot_general3A_53 = tpu.matmul %convert_element_type3A_51, %convert_element_type3A, %dot_general3A_52 {dimension_numbers = #tpu.dot_dimension_numbers<[1], [0], [0], [1], [0, 0, 1, 1], [], []>, transpose_lhs_hint = false} : vector<1024x32xbf16>, vector<32x1024xbf16>, vector<1024x1024xf32> -> vector<1024x1024xf32>
    %add3A_54 = vector.broadcast %broadcast_in_dim3A : vector<1x1024xf32> to vector<1024x1024xf32>
    %add3A_55 = vector.broadcast %broadcast_in_dim3A_50 : vector<1024x1xf32> to vector<1024x1024xf32>
    %add3A_56 = arith.addf %add3A_54, %add3A_55 : vector<1024x1024xf32>
    %mul3A_57 = arith.constant 2.000000e+00 : f32
    %mul3A_58 = vector.broadcast %mul3A_57 : f32 to vector<1024x1024xf32>
    %mul3A_59 = arith.mulf %mul3A_58, %dot_general3A_53 : vector<1024x1024xf32>
    %sub3A_60 = arith.subf %add3A_56, %mul3A_59 : vector<1024x1024xf32>
    %max3A_61 = arith.constant 0.000000e+00 : f32
    %max3A_62 = vector.broadcast %max3A_61 : f32 to vector<1024x1024xf32>
    %max3A_63 = arith.maximumf %sub3A_60, %max3A_62 : vector<1024x1024xf32>
    %eq3A_64 = arith.constant 0.000000e+00 : f32
    %eq3A_65 = vector.broadcast %eq3A_64 : f32 to vector<1024x1024xf32>
    %eq3A_66 = arith.cmpf oeq, %max3A_63, %eq3A_65 : vector<1024x1024xf32>
    %rsqrt3A_67 = math.rsqrt %max3A_63 : vector<1024x1024xf32>
    %mul3A_68 = arith.mulf %max3A_63, %rsqrt3A_67 : vector<1024x1024xf32>
    %jit3A_69 = arith.constant 0.000000e+00 : f32
    %broadcast_in_dim3A_70 = vector.broadcast %jit3A_69 : f32 to vector<1024x1024xf32>
    %select_n3A_71 = arith.select %eq3A_66, %broadcast_in_dim3A_70, %mul3A_68 : vector<1024x1024xi1>, vector<1024x1024xf32>
    %reduce_min3A_72 = arith.constant dense<0x7F800000> : vector<1024xf32>
    %reduce_min3A_73 = vector.multi_reduction <minimumf>, %select_n3A_71, %reduce_min3A_72 [0] : vector<1024x1024xf32> to vector<1024xf32>
    %broadcast_in_dim3A_74 = vector.shape_cast %reduce_min3A_73 : vector<1024xf32> to vector<1x1024xf32>
    %eq3A_75 = vector.broadcast %broadcast_in_dim3A_74 : vector<1x1024xf32> to vector<1024x1024xf32>
    %eq3A_76 = arith.cmpf oeq, %select_n3A_71, %eq3A_75 : vector<1024x1024xf32>
    %jit3A_77 = arith.constant 8192 : i32
    %broadcast_in_dim3A_78 = vector.broadcast %jit3A_77 : i32 to vector<1024x1024xi32>
    %select_n3A_79 = arith.select %eq3A_76, %iota3A, %broadcast_in_dim3A_78 : vector<1024x1024xi1>, vector<1024x1024xi32>
    %reduce_min3A_80 = arith.constant dense<2147483647> : vector<1024xi32>
    %reduce_min3A_81 = vector.multi_reduction <minsi>, %select_n3A_79, %reduce_min3A_80 [0] : vector<1024x1024xi32> to vector<1024xi32>
    %broadcast_in_dim3A_82 = vector.shape_cast %reduce_min3A_81 : vector<1024xi32> to vector<1x1024xi32>
    %add3A_83 = arith.constant 1024 : i32
    %add3A_84 = vector.broadcast %add3A_83 : i32 to vector<1x1024xi32>
    %add3A_85 = arith.addi %add3A_84, %broadcast_in_dim3A_82 : vector<1x1024xi32>
    %lt3A_86 = arith.cmpf olt, %broadcast_in_dim3A_74, %select_n3A_42 : vector<1x1024xf32>
    %select_n3A_87 = arith.select %lt3A_86, %broadcast_in_dim3A_74, %select_n3A_42 : vector<1x1024xi1>, vector<1x1024xf32>
    %select_n3A_88 = arith.select %lt3A_86, %add3A_85, %select_n3A_43 : vector<1x1024xi1>, vector<1x1024xi32>
    %get3A_89 = arith.constant 2048 : index
    %get3A_90 = arith.constant 0 : index
    %get3A_91 = vector.load %arg2[%get3A_89, %get3A_90] : memref<8192x32xf32, #tpu.memory_space<vmem>>, vector<1024x32xf32>
    %mul3A_92 = arith.mulf %get3A_91, %get3A_91 : vector<1024x32xf32>
    %reduce_sum3A_93 = arith.constant dense<0.000000e+00> : vector<1024xf32>
    %reduce_sum3A_94 = vector.multi_reduction <add>, %mul3A_92, %reduce_sum3A_93 [1] : vector<1024x32xf32> to vector<1024xf32>
    %broadcast_in_dim3A_95 = vector.shape_cast %reduce_sum3A_94 : vector<1024xf32> to vector<1024x1xf32>
    %convert_element_type3A_96 = arith.truncf %get3A_91 : vector<1024x32xf32> to vector<1024x32xbf16>
    %dot_general3A_97 = arith.constant dense<0.000000e+00> : vector<1024x1024xf32>
    %dot_general3A_98 = tpu.matmul %convert_element_type3A_96, %convert_element_type3A, %dot_general3A_97 {dimension_numbers = #tpu.dot_dimension_numbers<[1], [0], [0], [1], [0, 0, 1, 1], [], []>, transpose_lhs_hint = false} : vector<1024x32xbf16>, vector<32x1024xbf16>, vector<1024x1024xf32> -> vector<1024x1024xf32>
    %add3A_99 = vector.broadcast %broadcast_in_dim3A : vector<1x1024xf32> to vector<1024x1024xf32>
    %add3A_100 = vector.broadcast %broadcast_in_dim3A_95 : vector<1024x1xf32> to vector<1024x1024xf32>
    %add3A_101 = arith.addf %add3A_99, %add3A_100 : vector<1024x1024xf32>
    %mul3A_102 = arith.constant 2.000000e+00 : f32
    %mul3A_103 = vector.broadcast %mul3A_102 : f32 to vector<1024x1024xf32>
    %mul3A_104 = arith.mulf %mul3A_103, %dot_general3A_98 : vector<1024x1024xf32>
    %sub3A_105 = arith.subf %add3A_101, %mul3A_104 : vector<1024x1024xf32>
    %max3A_106 = arith.constant 0.000000e+00 : f32
    %max3A_107 = vector.broadcast %max3A_106 : f32 to vector<1024x1024xf32>
    %max3A_108 = arith.maximumf %sub3A_105, %max3A_107 : vector<1024x1024xf32>
    %eq3A_109 = arith.constant 0.000000e+00 : f32
    %eq3A_110 = vector.broadcast %eq3A_109 : f32 to vector<1024x1024xf32>
    %eq3A_111 = arith.cmpf oeq, %max3A_108, %eq3A_110 : vector<1024x1024xf32>
    %rsqrt3A_112 = math.rsqrt %max3A_108 : vector<1024x1024xf32>
    %mul3A_113 = arith.mulf %max3A_108, %rsqrt3A_112 : vector<1024x1024xf32>
    %jit3A_114 = arith.constant 0.000000e+00 : f32
    %broadcast_in_dim3A_115 = vector.broadcast %jit3A_114 : f32 to vector<1024x1024xf32>
    %select_n3A_116 = arith.select %eq3A_111, %broadcast_in_dim3A_115, %mul3A_113 : vector<1024x1024xi1>, vector<1024x1024xf32>
    %reduce_min3A_117 = arith.constant dense<0x7F800000> : vector<1024xf32>
    %reduce_min3A_118 = vector.multi_reduction <minimumf>, %select_n3A_116, %reduce_min3A_117 [0] : vector<1024x1024xf32> to vector<1024xf32>
    %broadcast_in_dim3A_119 = vector.shape_cast %reduce_min3A_118 : vector<1024xf32> to vector<1x1024xf32>
    %eq3A_120 = vector.broadcast %broadcast_in_dim3A_119 : vector<1x1024xf32> to vector<1024x1024xf32>
    %eq3A_121 = arith.cmpf oeq, %select_n3A_116, %eq3A_120 : vector<1024x1024xf32>
    %jit3A_122 = arith.constant 8192 : i32
    %broadcast_in_dim3A_123 = vector.broadcast %jit3A_122 : i32 to vector<1024x1024xi32>
    %select_n3A_124 = arith.select %eq3A_121, %iota3A, %broadcast_in_dim3A_123 : vector<1024x1024xi1>, vector<1024x1024xi32>
    %reduce_min3A_125 = arith.constant dense<2147483647> : vector<1024xi32>
    %reduce_min3A_126 = vector.multi_reduction <minsi>, %select_n3A_124, %reduce_min3A_125 [0] : vector<1024x1024xi32> to vector<1024xi32>
    %broadcast_in_dim3A_127 = vector.shape_cast %reduce_min3A_126 : vector<1024xi32> to vector<1x1024xi32>
    %add3A_128 = arith.constant 2048 : i32
    %add3A_129 = vector.broadcast %add3A_128 : i32 to vector<1x1024xi32>
    %add3A_130 = arith.addi %add3A_129, %broadcast_in_dim3A_127 : vector<1x1024xi32>
    %lt3A_131 = arith.cmpf olt, %broadcast_in_dim3A_119, %select_n3A_87 : vector<1x1024xf32>
    %select_n3A_132 = arith.select %lt3A_131, %broadcast_in_dim3A_119, %select_n3A_87 : vector<1x1024xi1>, vector<1x1024xf32>
    %select_n3A_133 = arith.select %lt3A_131, %add3A_130, %select_n3A_88 : vector<1x1024xi1>, vector<1x1024xi32>
    %get3A_134 = arith.constant 3072 : index
    %get3A_135 = arith.constant 0 : index
    %get3A_136 = vector.load %arg2[%get3A_134, %get3A_135] : memref<8192x32xf32, #tpu.memory_space<vmem>>, vector<1024x32xf32>
    %mul3A_137 = arith.mulf %get3A_136, %get3A_136 : vector<1024x32xf32>
    %reduce_sum3A_138 = arith.constant dense<0.000000e+00> : vector<1024xf32>
    %reduce_sum3A_139 = vector.multi_reduction <add>, %mul3A_137, %reduce_sum3A_138 [1] : vector<1024x32xf32> to vector<1024xf32>
    %broadcast_in_dim3A_140 = vector.shape_cast %reduce_sum3A_139 : vector<1024xf32> to vector<1024x1xf32>
    %convert_element_type3A_141 = arith.truncf %get3A_136 : vector<1024x32xf32> to vector<1024x32xbf16>
    %dot_general3A_142 = arith.constant dense<0.000000e+00> : vector<1024x1024xf32>
    %dot_general3A_143 = tpu.matmul %convert_element_type3A_141, %convert_element_type3A, %dot_general3A_142 {dimension_numbers = #tpu.dot_dimension_numbers<[1], [0], [0], [1], [0, 0, 1, 1], [], []>, transpose_lhs_hint = false} : vector<1024x32xbf16>, vector<32x1024xbf16>, vector<1024x1024xf32> -> vector<1024x1024xf32>
    %add3A_144 = vector.broadcast %broadcast_in_dim3A : vector<1x1024xf32> to vector<1024x1024xf32>
    %add3A_145 = vector.broadcast %broadcast_in_dim3A_140 : vector<1024x1xf32> to vector<1024x1024xf32>
    %add3A_146 = arith.addf %add3A_144, %add3A_145 : vector<1024x1024xf32>
    %mul3A_147 = arith.constant 2.000000e+00 : f32
    %mul3A_148 = vector.broadcast %mul3A_147 : f32 to vector<1024x1024xf32>
    %mul3A_149 = arith.mulf %mul3A_148, %dot_general3A_143 : vector<1024x1024xf32>
    %sub3A_150 = arith.subf %add3A_146, %mul3A_149 : vector<1024x1024xf32>
    %max3A_151 = arith.constant 0.000000e+00 : f32
    %max3A_152 = vector.broadcast %max3A_151 : f32 to vector<1024x1024xf32>
    %max3A_153 = arith.maximumf %sub3A_150, %max3A_152 : vector<1024x1024xf32>
    %eq3A_154 = arith.constant 0.000000e+00 : f32
    %eq3A_155 = vector.broadcast %eq3A_154 : f32 to vector<1024x1024xf32>
    %eq3A_156 = arith.cmpf oeq, %max3A_153, %eq3A_155 : vector<1024x1024xf32>
    %rsqrt3A_157 = math.rsqrt %max3A_153 : vector<1024x1024xf32>
    %mul3A_158 = arith.mulf %max3A_153, %rsqrt3A_157 : vector<1024x1024xf32>
    %jit3A_159 = arith.constant 0.000000e+00 : f32
    %broadcast_in_dim3A_160 = vector.broadcast %jit3A_159 : f32 to vector<1024x1024xf32>
    %select_n3A_161 = arith.select %eq3A_156, %broadcast_in_dim3A_160, %mul3A_158 : vector<1024x1024xi1>, vector<1024x1024xf32>
    %reduce_min3A_162 = arith.constant dense<0x7F800000> : vector<1024xf32>
    %reduce_min3A_163 = vector.multi_reduction <minimumf>, %select_n3A_161, %reduce_min3A_162 [0] : vector<1024x1024xf32> to vector<1024xf32>
    %broadcast_in_dim3A_164 = vector.shape_cast %reduce_min3A_163 : vector<1024xf32> to vector<1x1024xf32>
    %eq3A_165 = vector.broadcast %broadcast_in_dim3A_164 : vector<1x1024xf32> to vector<1024x1024xf32>
    %eq3A_166 = arith.cmpf oeq, %select_n3A_161, %eq3A_165 : vector<1024x1024xf32>
    %jit3A_167 = arith.constant 8192 : i32
    %broadcast_in_dim3A_168 = vector.broadcast %jit3A_167 : i32 to vector<1024x1024xi32>
    %select_n3A_169 = arith.select %eq3A_166, %iota3A, %broadcast_in_dim3A_168 : vector<1024x1024xi1>, vector<1024x1024xi32>
    %reduce_min3A_170 = arith.constant dense<2147483647> : vector<1024xi32>
    %reduce_min3A_171 = vector.multi_reduction <minsi>, %select_n3A_169, %reduce_min3A_170 [0] : vector<1024x1024xi32> to vector<1024xi32>
    %broadcast_in_dim3A_172 = vector.shape_cast %reduce_min3A_171 : vector<1024xi32> to vector<1x1024xi32>
    %add3A_173 = arith.constant 3072 : i32
    %add3A_174 = vector.broadcast %add3A_173 : i32 to vector<1x1024xi32>
    %add3A_175 = arith.addi %add3A_174, %broadcast_in_dim3A_172 : vector<1x1024xi32>
    %lt3A_176 = arith.cmpf olt, %broadcast_in_dim3A_164, %select_n3A_132 : vector<1x1024xf32>
    %select_n3A_177 = arith.select %lt3A_176, %broadcast_in_dim3A_164, %select_n3A_132 : vector<1x1024xi1>, vector<1x1024xf32>
    %select_n3A_178 = arith.select %lt3A_176, %add3A_175, %select_n3A_133 : vector<1x1024xi1>, vector<1x1024xi32>
    %get3A_179 = arith.constant 4096 : index
    %get3A_180 = arith.constant 0 : index
    %get3A_181 = vector.load %arg2[%get3A_179, %get3A_180] : memref<8192x32xf32, #tpu.memory_space<vmem>>, vector<1024x32xf32>
    %mul3A_182 = arith.mulf %get3A_181, %get3A_181 : vector<1024x32xf32>
    %reduce_sum3A_183 = arith.constant dense<0.000000e+00> : vector<1024xf32>
    %reduce_sum3A_184 = vector.multi_reduction <add>, %mul3A_182, %reduce_sum3A_183 [1] : vector<1024x32xf32> to vector<1024xf32>
    %broadcast_in_dim3A_185 = vector.shape_cast %reduce_sum3A_184 : vector<1024xf32> to vector<1024x1xf32>
    %convert_element_type3A_186 = arith.truncf %get3A_181 : vector<1024x32xf32> to vector<1024x32xbf16>
    %dot_general3A_187 = arith.constant dense<0.000000e+00> : vector<1024x1024xf32>
    %dot_general3A_188 = tpu.matmul %convert_element_type3A_186, %convert_element_type3A, %dot_general3A_187 {dimension_numbers = #tpu.dot_dimension_numbers<[1], [0], [0], [1], [0, 0, 1, 1], [], []>, transpose_lhs_hint = false} : vector<1024x32xbf16>, vector<32x1024xbf16>, vector<1024x1024xf32> -> vector<1024x1024xf32>
    %add3A_189 = vector.broadcast %broadcast_in_dim3A : vector<1x1024xf32> to vector<1024x1024xf32>
    %add3A_190 = vector.broadcast %broadcast_in_dim3A_185 : vector<1024x1xf32> to vector<1024x1024xf32>
    %add3A_191 = arith.addf %add3A_189, %add3A_190 : vector<1024x1024xf32>
    %mul3A_192 = arith.constant 2.000000e+00 : f32
    %mul3A_193 = vector.broadcast %mul3A_192 : f32 to vector<1024x1024xf32>
    %mul3A_194 = arith.mulf %mul3A_193, %dot_general3A_188 : vector<1024x1024xf32>
    %sub3A_195 = arith.subf %add3A_191, %mul3A_194 : vector<1024x1024xf32>
    %max3A_196 = arith.constant 0.000000e+00 : f32
    %max3A_197 = vector.broadcast %max3A_196 : f32 to vector<1024x1024xf32>
    %max3A_198 = arith.maximumf %sub3A_195, %max3A_197 : vector<1024x1024xf32>
    %eq3A_199 = arith.constant 0.000000e+00 : f32
    %eq3A_200 = vector.broadcast %eq3A_199 : f32 to vector<1024x1024xf32>
    %eq3A_201 = arith.cmpf oeq, %max3A_198, %eq3A_200 : vector<1024x1024xf32>
    %rsqrt3A_202 = math.rsqrt %max3A_198 : vector<1024x1024xf32>
    %mul3A_203 = arith.mulf %max3A_198, %rsqrt3A_202 : vector<1024x1024xf32>
    %jit3A_204 = arith.constant 0.000000e+00 : f32
    %broadcast_in_dim3A_205 = vector.broadcast %jit3A_204 : f32 to vector<1024x1024xf32>
    %select_n3A_206 = arith.select %eq3A_201, %broadcast_in_dim3A_205, %mul3A_203 : vector<1024x1024xi1>, vector<1024x1024xf32>
    %reduce_min3A_207 = arith.constant dense<0x7F800000> : vector<1024xf32>
    %reduce_min3A_208 = vector.multi_reduction <minimumf>, %select_n3A_206, %reduce_min3A_207 [0] : vector<1024x1024xf32> to vector<1024xf32>
    %broadcast_in_dim3A_209 = vector.shape_cast %reduce_min3A_208 : vector<1024xf32> to vector<1x1024xf32>
    %eq3A_210 = vector.broadcast %broadcast_in_dim3A_209 : vector<1x1024xf32> to vector<1024x1024xf32>
    %eq3A_211 = arith.cmpf oeq, %select_n3A_206, %eq3A_210 : vector<1024x1024xf32>
    %jit3A_212 = arith.constant 8192 : i32
    %broadcast_in_dim3A_213 = vector.broadcast %jit3A_212 : i32 to vector<1024x1024xi32>
    %select_n3A_214 = arith.select %eq3A_211, %iota3A, %broadcast_in_dim3A_213 : vector<1024x1024xi1>, vector<1024x1024xi32>
    %reduce_min3A_215 = arith.constant dense<2147483647> : vector<1024xi32>
    %reduce_min3A_216 = vector.multi_reduction <minsi>, %select_n3A_214, %reduce_min3A_215 [0] : vector<1024x1024xi32> to vector<1024xi32>
    %broadcast_in_dim3A_217 = vector.shape_cast %reduce_min3A_216 : vector<1024xi32> to vector<1x1024xi32>
    %add3A_218 = arith.constant 4096 : i32
    %add3A_219 = vector.broadcast %add3A_218 : i32 to vector<1x1024xi32>
    %add3A_220 = arith.addi %add3A_219, %broadcast_in_dim3A_217 : vector<1x1024xi32>
    %lt3A_221 = arith.cmpf olt, %broadcast_in_dim3A_209, %select_n3A_177 : vector<1x1024xf32>
    %select_n3A_222 = arith.select %lt3A_221, %broadcast_in_dim3A_209, %select_n3A_177 : vector<1x1024xi1>, vector<1x1024xf32>
    %select_n3A_223 = arith.select %lt3A_221, %add3A_220, %select_n3A_178 : vector<1x1024xi1>, vector<1x1024xi32>
    %get3A_224 = arith.constant 5120 : index
    %get3A_225 = arith.constant 0 : index
    %get3A_226 = vector.load %arg2[%get3A_224, %get3A_225] : memref<8192x32xf32, #tpu.memory_space<vmem>>, vector<1024x32xf32>
    %mul3A_227 = arith.mulf %get3A_226, %get3A_226 : vector<1024x32xf32>
    %reduce_sum3A_228 = arith.constant dense<0.000000e+00> : vector<1024xf32>
    %reduce_sum3A_229 = vector.multi_reduction <add>, %mul3A_227, %reduce_sum3A_228 [1] : vector<1024x32xf32> to vector<1024xf32>
    %broadcast_in_dim3A_230 = vector.shape_cast %reduce_sum3A_229 : vector<1024xf32> to vector<1024x1xf32>
    %convert_element_type3A_231 = arith.truncf %get3A_226 : vector<1024x32xf32> to vector<1024x32xbf16>
    %dot_general3A_232 = arith.constant dense<0.000000e+00> : vector<1024x1024xf32>
    %dot_general3A_233 = tpu.matmul %convert_element_type3A_231, %convert_element_type3A, %dot_general3A_232 {dimension_numbers = #tpu.dot_dimension_numbers<[1], [0], [0], [1], [0, 0, 1, 1], [], []>, transpose_lhs_hint = false} : vector<1024x32xbf16>, vector<32x1024xbf16>, vector<1024x1024xf32> -> vector<1024x1024xf32>
    %add3A_234 = vector.broadcast %broadcast_in_dim3A : vector<1x1024xf32> to vector<1024x1024xf32>
    %add3A_235 = vector.broadcast %broadcast_in_dim3A_230 : vector<1024x1xf32> to vector<1024x1024xf32>
    %add3A_236 = arith.addf %add3A_234, %add3A_235 : vector<1024x1024xf32>
    %mul3A_237 = arith.constant 2.000000e+00 : f32
    %mul3A_238 = vector.broadcast %mul3A_237 : f32 to vector<1024x1024xf32>
    %mul3A_239 = arith.mulf %mul3A_238, %dot_general3A_233 : vector<1024x1024xf32>
    %sub3A_240 = arith.subf %add3A_236, %mul3A_239 : vector<1024x1024xf32>
    %max3A_241 = arith.constant 0.000000e+00 : f32
    %max3A_242 = vector.broadcast %max3A_241 : f32 to vector<1024x1024xf32>
    %max3A_243 = arith.maximumf %sub3A_240, %max3A_242 : vector<1024x1024xf32>
    %eq3A_244 = arith.constant 0.000000e+00 : f32
    %eq3A_245 = vector.broadcast %eq3A_244 : f32 to vector<1024x1024xf32>
    %eq3A_246 = arith.cmpf oeq, %max3A_243, %eq3A_245 : vector<1024x1024xf32>
    %rsqrt3A_247 = math.rsqrt %max3A_243 : vector<1024x1024xf32>
    %mul3A_248 = arith.mulf %max3A_243, %rsqrt3A_247 : vector<1024x1024xf32>
    %jit3A_249 = arith.constant 0.000000e+00 : f32
    %broadcast_in_dim3A_250 = vector.broadcast %jit3A_249 : f32 to vector<1024x1024xf32>
    %select_n3A_251 = arith.select %eq3A_246, %broadcast_in_dim3A_250, %mul3A_248 : vector<1024x1024xi1>, vector<1024x1024xf32>
    %reduce_min3A_252 = arith.constant dense<0x7F800000> : vector<1024xf32>
    %reduce_min3A_253 = vector.multi_reduction <minimumf>, %select_n3A_251, %reduce_min3A_252 [0] : vector<1024x1024xf32> to vector<1024xf32>
    %broadcast_in_dim3A_254 = vector.shape_cast %reduce_min3A_253 : vector<1024xf32> to vector<1x1024xf32>
    %eq3A_255 = vector.broadcast %broadcast_in_dim3A_254 : vector<1x1024xf32> to vector<1024x1024xf32>
    %eq3A_256 = arith.cmpf oeq, %select_n3A_251, %eq3A_255 : vector<1024x1024xf32>
    %jit3A_257 = arith.constant 8192 : i32
    %broadcast_in_dim3A_258 = vector.broadcast %jit3A_257 : i32 to vector<1024x1024xi32>
    %select_n3A_259 = arith.select %eq3A_256, %iota3A, %broadcast_in_dim3A_258 : vector<1024x1024xi1>, vector<1024x1024xi32>
    %reduce_min3A_260 = arith.constant dense<2147483647> : vector<1024xi32>
    %reduce_min3A_261 = vector.multi_reduction <minsi>, %select_n3A_259, %reduce_min3A_260 [0] : vector<1024x1024xi32> to vector<1024xi32>
    %broadcast_in_dim3A_262 = vector.shape_cast %reduce_min3A_261 : vector<1024xi32> to vector<1x1024xi32>
    %add3A_263 = arith.constant 5120 : i32
    %add3A_264 = vector.broadcast %add3A_263 : i32 to vector<1x1024xi32>
    %add3A_265 = arith.addi %add3A_264, %broadcast_in_dim3A_262 : vector<1x1024xi32>
    %lt3A_266 = arith.cmpf olt, %broadcast_in_dim3A_254, %select_n3A_222 : vector<1x1024xf32>
    %select_n3A_267 = arith.select %lt3A_266, %broadcast_in_dim3A_254, %select_n3A_222 : vector<1x1024xi1>, vector<1x1024xf32>
    %select_n3A_268 = arith.select %lt3A_266, %add3A_265, %select_n3A_223 : vector<1x1024xi1>, vector<1x1024xi32>
    %get3A_269 = arith.constant 6144 : index
    %get3A_270 = arith.constant 0 : index
    %get3A_271 = vector.load %arg2[%get3A_269, %get3A_270] : memref<8192x32xf32, #tpu.memory_space<vmem>>, vector<1024x32xf32>
    %mul3A_272 = arith.mulf %get3A_271, %get3A_271 : vector<1024x32xf32>
    %reduce_sum3A_273 = arith.constant dense<0.000000e+00> : vector<1024xf32>
    %reduce_sum3A_274 = vector.multi_reduction <add>, %mul3A_272, %reduce_sum3A_273 [1] : vector<1024x32xf32> to vector<1024xf32>
    %broadcast_in_dim3A_275 = vector.shape_cast %reduce_sum3A_274 : vector<1024xf32> to vector<1024x1xf32>
    %convert_element_type3A_276 = arith.truncf %get3A_271 : vector<1024x32xf32> to vector<1024x32xbf16>
    %dot_general3A_277 = arith.constant dense<0.000000e+00> : vector<1024x1024xf32>
    %dot_general3A_278 = tpu.matmul %convert_element_type3A_276, %convert_element_type3A, %dot_general3A_277 {dimension_numbers = #tpu.dot_dimension_numbers<[1], [0], [0], [1], [0, 0, 1, 1], [], []>, transpose_lhs_hint = false} : vector<1024x32xbf16>, vector<32x1024xbf16>, vector<1024x1024xf32> -> vector<1024x1024xf32>
    %add3A_279 = vector.broadcast %broadcast_in_dim3A : vector<1x1024xf32> to vector<1024x1024xf32>
    %add3A_280 = vector.broadcast %broadcast_in_dim3A_275 : vector<1024x1xf32> to vector<1024x1024xf32>
    %add3A_281 = arith.addf %add3A_279, %add3A_280 : vector<1024x1024xf32>
    %mul3A_282 = arith.constant 2.000000e+00 : f32
    %mul3A_283 = vector.broadcast %mul3A_282 : f32 to vector<1024x1024xf32>
    %mul3A_284 = arith.mulf %mul3A_283, %dot_general3A_278 : vector<1024x1024xf32>
    %sub3A_285 = arith.subf %add3A_281, %mul3A_284 : vector<1024x1024xf32>
    %max3A_286 = arith.constant 0.000000e+00 : f32
    %max3A_287 = vector.broadcast %max3A_286 : f32 to vector<1024x1024xf32>
    %max3A_288 = arith.maximumf %sub3A_285, %max3A_287 : vector<1024x1024xf32>
    %eq3A_289 = arith.constant 0.000000e+00 : f32
    %eq3A_290 = vector.broadcast %eq3A_289 : f32 to vector<1024x1024xf32>
    %eq3A_291 = arith.cmpf oeq, %max3A_288, %eq3A_290 : vector<1024x1024xf32>
    %rsqrt3A_292 = math.rsqrt %max3A_288 : vector<1024x1024xf32>
    %mul3A_293 = arith.mulf %max3A_288, %rsqrt3A_292 : vector<1024x1024xf32>
    %jit3A_294 = arith.constant 0.000000e+00 : f32
    %broadcast_in_dim3A_295 = vector.broadcast %jit3A_294 : f32 to vector<1024x1024xf32>
    %select_n3A_296 = arith.select %eq3A_291, %broadcast_in_dim3A_295, %mul3A_293 : vector<1024x1024xi1>, vector<1024x1024xf32>
    %reduce_min3A_297 = arith.constant dense<0x7F800000> : vector<1024xf32>
    %reduce_min3A_298 = vector.multi_reduction <minimumf>, %select_n3A_296, %reduce_min3A_297 [0] : vector<1024x1024xf32> to vector<1024xf32>
    %broadcast_in_dim3A_299 = vector.shape_cast %reduce_min3A_298 : vector<1024xf32> to vector<1x1024xf32>
    %eq3A_300 = vector.broadcast %broadcast_in_dim3A_299 : vector<1x1024xf32> to vector<1024x1024xf32>
    %eq3A_301 = arith.cmpf oeq, %select_n3A_296, %eq3A_300 : vector<1024x1024xf32>
    %jit3A_302 = arith.constant 8192 : i32
    %broadcast_in_dim3A_303 = vector.broadcast %jit3A_302 : i32 to vector<1024x1024xi32>
    %select_n3A_304 = arith.select %eq3A_301, %iota3A, %broadcast_in_dim3A_303 : vector<1024x1024xi1>, vector<1024x1024xi32>
    %reduce_min3A_305 = arith.constant dense<2147483647> : vector<1024xi32>
    %reduce_min3A_306 = vector.multi_reduction <minsi>, %select_n3A_304, %reduce_min3A_305 [0] : vector<1024x1024xi32> to vector<1024xi32>
    %broadcast_in_dim3A_307 = vector.shape_cast %reduce_min3A_306 : vector<1024xi32> to vector<1x1024xi32>
    %add3A_308 = arith.constant 6144 : i32
    %add3A_309 = vector.broadcast %add3A_308 : i32 to vector<1x1024xi32>
    %add3A_310 = arith.addi %add3A_309, %broadcast_in_dim3A_307 : vector<1x1024xi32>
    %lt3A_311 = arith.cmpf olt, %broadcast_in_dim3A_299, %select_n3A_267 : vector<1x1024xf32>
    %select_n3A_312 = arith.select %lt3A_311, %broadcast_in_dim3A_299, %select_n3A_267 : vector<1x1024xi1>, vector<1x1024xf32>
    %select_n3A_313 = arith.select %lt3A_311, %add3A_310, %select_n3A_268 : vector<1x1024xi1>, vector<1x1024xi32>
    %get3A_314 = arith.constant 7168 : index
    %get3A_315 = arith.constant 0 : index
    %get3A_316 = vector.load %arg2[%get3A_314, %get3A_315] : memref<8192x32xf32, #tpu.memory_space<vmem>>, vector<1024x32xf32>
    %mul3A_317 = arith.mulf %get3A_316, %get3A_316 : vector<1024x32xf32>
    %reduce_sum3A_318 = arith.constant dense<0.000000e+00> : vector<1024xf32>
    %reduce_sum3A_319 = vector.multi_reduction <add>, %mul3A_317, %reduce_sum3A_318 [1] : vector<1024x32xf32> to vector<1024xf32>
    %broadcast_in_dim3A_320 = vector.shape_cast %reduce_sum3A_319 : vector<1024xf32> to vector<1024x1xf32>
    %convert_element_type3A_321 = arith.truncf %get3A_316 : vector<1024x32xf32> to vector<1024x32xbf16>
    %dot_general3A_322 = arith.constant dense<0.000000e+00> : vector<1024x1024xf32>
    %dot_general3A_323 = tpu.matmul %convert_element_type3A_321, %convert_element_type3A, %dot_general3A_322 {dimension_numbers = #tpu.dot_dimension_numbers<[1], [0], [0], [1], [0, 0, 1, 1], [], []>, transpose_lhs_hint = false} : vector<1024x32xbf16>, vector<32x1024xbf16>, vector<1024x1024xf32> -> vector<1024x1024xf32>
    %add3A_324 = vector.broadcast %broadcast_in_dim3A : vector<1x1024xf32> to vector<1024x1024xf32>
    %add3A_325 = vector.broadcast %broadcast_in_dim3A_320 : vector<1024x1xf32> to vector<1024x1024xf32>
    %add3A_326 = arith.addf %add3A_324, %add3A_325 : vector<1024x1024xf32>
    %mul3A_327 = arith.constant 2.000000e+00 : f32
    %mul3A_328 = vector.broadcast %mul3A_327 : f32 to vector<1024x1024xf32>
    %mul3A_329 = arith.mulf %mul3A_328, %dot_general3A_323 : vector<1024x1024xf32>
    %sub3A_330 = arith.subf %add3A_326, %mul3A_329 : vector<1024x1024xf32>
    %max3A_331 = arith.constant 0.000000e+00 : f32
    %max3A_332 = vector.broadcast %max3A_331 : f32 to vector<1024x1024xf32>
    %max3A_333 = arith.maximumf %sub3A_330, %max3A_332 : vector<1024x1024xf32>
    %eq3A_334 = arith.constant 0.000000e+00 : f32
    %eq3A_335 = vector.broadcast %eq3A_334 : f32 to vector<1024x1024xf32>
    %eq3A_336 = arith.cmpf oeq, %max3A_333, %eq3A_335 : vector<1024x1024xf32>
    %rsqrt3A_337 = math.rsqrt %max3A_333 : vector<1024x1024xf32>
    %mul3A_338 = arith.mulf %max3A_333, %rsqrt3A_337 : vector<1024x1024xf32>
    %jit3A_339 = arith.constant 0.000000e+00 : f32
    %broadcast_in_dim3A_340 = vector.broadcast %jit3A_339 : f32 to vector<1024x1024xf32>
    %select_n3A_341 = arith.select %eq3A_336, %broadcast_in_dim3A_340, %mul3A_338 : vector<1024x1024xi1>, vector<1024x1024xf32>
    %reduce_min3A_342 = arith.constant dense<0x7F800000> : vector<1024xf32>
    %reduce_min3A_343 = vector.multi_reduction <minimumf>, %select_n3A_341, %reduce_min3A_342 [0] : vector<1024x1024xf32> to vector<1024xf32>
    %broadcast_in_dim3A_344 = vector.shape_cast %reduce_min3A_343 : vector<1024xf32> to vector<1x1024xf32>
    %eq3A_345 = vector.broadcast %broadcast_in_dim3A_344 : vector<1x1024xf32> to vector<1024x1024xf32>
    %eq3A_346 = arith.cmpf oeq, %select_n3A_341, %eq3A_345 : vector<1024x1024xf32>
    %jit3A_347 = arith.constant 8192 : i32
    %broadcast_in_dim3A_348 = vector.broadcast %jit3A_347 : i32 to vector<1024x1024xi32>
    %select_n3A_349 = arith.select %eq3A_346, %iota3A, %broadcast_in_dim3A_348 : vector<1024x1024xi1>, vector<1024x1024xi32>
    %reduce_min3A_350 = arith.constant dense<2147483647> : vector<1024xi32>
    %reduce_min3A_351 = vector.multi_reduction <minsi>, %select_n3A_349, %reduce_min3A_350 [0] : vector<1024x1024xi32> to vector<1024xi32>
    %broadcast_in_dim3A_352 = vector.shape_cast %reduce_min3A_351 : vector<1024xi32> to vector<1x1024xi32>
    %add3A_353 = arith.constant 7168 : i32
    %add3A_354 = vector.broadcast %add3A_353 : i32 to vector<1x1024xi32>
    %add3A_355 = arith.addi %add3A_354, %broadcast_in_dim3A_352 : vector<1x1024xi32>
    %lt3A_356 = arith.cmpf olt, %broadcast_in_dim3A_344, %select_n3A_312 : vector<1x1024xf32>
    %select_n3A_357 = arith.select %lt3A_356, %add3A_355, %select_n3A_313 : vector<1x1024xi1>, vector<1x1024xi32>
    %swap3A = arith.constant 0 : index
    %swap3A_358 = arith.constant 0 : index
    %swap3A_359 = arith.constant 0 : index
    %swap3A_360 = vector.load %arg3[%swap3A, %swap3A_358, %swap3A_359] : memref<1x1x1024xi32, #tpu.memory_space<vmem>>, vector<1x1x1024xi32>
    %swap3A_361 = vector.shape_cast %swap3A_360 : vector<1x1x1024xi32> to vector<1x1024xi32>
    %swap3A_362 = vector.shape_cast %select_n3A_357 : vector<1x1024xi32> to vector<1x1x1024xi32>
    tpu.vector_store %arg3[%swap3A, %swap3A_358, %swap3A_359], %swap3A_362 {strides = array<i32>} : memref<1x1x1024xi32, #tpu.memory_space<vmem>>, vector<1x1x1024xi32>,
    return
  }
  func.func @transform_0(%arg0: i32) -> (i32, i32, i32) {
    %c0_i32 = arith.constant 0 : i32
    %c0_i32_0 = arith.constant 0 : i32
    %c0_i32_1 = arith.constant 0 : i32
    return %arg0, %c0_i32, %c0_i32_0 : i32, i32, i32
  }
  func.func @transform_1(%arg0: i32) -> (i32, i32) {
    %c0_i32 = arith.constant 0 : i32
    %c0_i32_0 = arith.constant 0 : i32
    %c0_i32_1 = arith.constant 0 : i32
    return %c0_i32, %c0_i32_0 : i32, i32
  }
  func.func @transform_2(%arg0: i32) -> (i32, i32, i32) {
    %c0_i32 = arith.constant 0 : i32
    %c0_i32_0 = arith.constant 0 : i32
    %c0_i32_1 = arith.constant 0 : i32
    return %arg0, %c0_i32, %c0_i32_0 : i32, i32, i32
  }
}

</mosaic_0001>

<sc_bundles>
// kernel: kernel.4.cloned.1.call-start
scs
__scs_entry_jumppad:
0x0: {  	(pc) =	sbr.rel $0x88, $3  }
0x1: {  	(tag) =	ssettag $0x0;
	lr =	simm.s32 $0x1  }
0x2: {  	[smem:$0x3F9F] =	sst lr;
	_ =	strace $0xD0000000  }
0x3: {  	_ = 	snop  }
0x4: {  	_ = 	snop  }
0x5: {  	_ = 	snop  }
0x6: {  	_ = 	snop  }
0x7: {  	_ = 	snop  }
__scs_overlays_trampoline_lowered:
0x8: {  	[smem:$0x3FAE] =	sst s0  }
0x9: {  	[smem:$0x3FAF] =	sst s1  }
0xa: {  	[smem:$0x3FB0] =	sst s2  }
0xb: {  	[smem:$0x3FB1] =	sst s3  }
0xc: {  	[smem:$0x3FB2] =	sst s4  }
0xd: {  	[smem:$0x3FB3] =	sst s5  }
0xe: {  	[smem:$0x3FB4] =	sst s6  }
0xf: {  	[smem:$0x3FB5] =	sst s7  }
0x10: {  	[smem:$0x3FB6] =	sst s8  }
0x11: {  	[smem:$0x3FB7] =	sst s9;
	s0 =	simm.s32 @!p0 $0x0  }
0x12: {  	s1 =	sld [smem:$0x3F9D];
	s0 =	simm.s32 @p0 $0x1  }
0x13: {  	[smem:$0x3FB8] =	sst s0;
	s0 =	simm.s32 @!p1 $0x0  }
0x14: {  	s2 =	sld [smem:$0x3F9C];
	s0 =	simm.s32 @p1 $0x1  }
0x15: {  	[smem:$0x3FB9] =	sst s0;
	s0 =	simm.s32 @!p2 $0x0  }
0x16: {  	s3 =	sld [smem:$0x3FDB];
	s0 =	simm.s32 @p2 $0x1  }
0x17: {  	s4 =	simm.s32 $0x1BF5;
	[smem:$0x3FBB] =	sst s0  }
0x18: {  	s0 =	sld [smem:$0x3F9E];
	_ =	swait.ge [sflag:s4], $0x0  }
0x19: {  	s7 =	sld [smem:$0x3F9F]  }
0x1a: {  	s8 =	sadd.s32 $0xFFFFE003, lr  }
0x1b: {  	s9 =	sadd.s32 $0xFFFFFEF7, lr;
	s5 =	simm.s32 $0xFFFFFFFF;
	p2 =	slt.u32 s8, $0xFFFFF086  }
0x1c: {  	p1 =	slt.u32 s9, $0xF7A;
	s5 =	simm.s32 @!p2 $0x0  }
0x1d: {  	s5 =	simm.s32 @p1 $0x1;
	p0 =	seq.s32 s7, s2  }
0x1e: {  	s7 =	smul.u32 @!p0 $0xF7A, s2;
	p2 =	seq.s32 @!p0 s5, $0x0  }
0x1f: {  	s9 =	smul.u32 $0xF7A, s1;
	s8 =	simm.s32 @!p0 $0x1BF5;
	p2 =	por !p2, p0  }
0x20: {  	[sflag:s8] =	ssyncset.s32 @!p0 $0xFFFFF086;
	s6 =	sadd.s32 @!p0 s3, s7;
	s7 =	simm.s32 @!p0 $0x108  }
0x21: {  	s3 =	sadd.s32 s3, s9;
	s6 =	sadd.s32 @!p0 $0x88, s6;
	s7 =	simm.s32 @p2 $0x1082  }
0x22: {  	[simem:s7], [sflag:s8] =	dma.local @!p0 [hbm:s6], $0xF7A  }
0x23: {  	s9 =	sor.u32 $0xD0000000, s2;
	s6 =	simm.s32 $0x108;
	_ =	swait.ge @!p0 [sflag:s8], $0x0  }
0x24: {  	s3 =	sadd.s32 $0x88, s3;
	s6 =	simm.s32 @!p1 $0x1082;
	[sflag:s4] =	ssyncset.s32 $0xFFFFF086  }
0x25: {  	[simem:s6], [sflag:s4] =	dma.local [hbm:s3], $0xF7A  }
0x26: {  	[smem:$0x3F9F] =	sst s1;
	(tag) =	ssettag s2;
	_ =	strace s9  }
0x27: {  	s1 =	sld [smem:$0x3FAF]  }
0x28: {  	s2 =	sld [smem:$0x3FB0]  }
0x29: {  	s4 =	sld [smem:$0x3FB2]  }
0x2a: {  	p0 =	seq.s32 s5, $0x0;
	s5 =	sld [smem:$0x3FB3]  }
0x2b: {  	s6 =	sld [smem:$0x3FB4]  }
0x2c: {  	s7 =	sld [smem:$0x3FB5]  }
0x2d: {  	s3 =	simm.s32 $0x108;
	s8 =	sld [smem:$0x3FB6]  }
0x2e: {  	s3 =	simm.s32 @!p0 $0x1082;
	s9 =	sld [smem:$0x3FB7]  }
0x2f: {  	lr =	sadd.s32 s0, s3;
	s0 =	sld [smem:$0x3FAE]  }
0x30: {  	s3 =	sld [smem:$0x3FB1]  }
0x31: {  	[smem:$0x3FBA] =	sst s10  }
0x32: {  	s10 =	sld [smem:$0x3FB8];
	_ =	sdelay $0x3  }
0x33: {  	p0 =	seq.s32 s10, $0x1;
	s10 =	sld [smem:$0x3FBA];
	_ =	sdelay $0x3  }
0x34: {  	[smem:$0x3FBA] =	sst s10  }
0x35: {  	s10 =	sld [smem:$0x3FB9];
	_ =	sdelay $0x3  }
0x36: {  	p1 =	seq.s32 s10, $0x1;
	s10 =	sld [smem:$0x3FBA];
	_ =	sdelay $0x3  }
0x37: {  	[smem:$0x3FBA] =	sst s10  }
0x38: {  	s10 =	sld [smem:$0x3FBB]  }
0x39: {  	_ = 	snop;
	(pc) =	sbr.ind lr, $3  }
0x3a: {  	_ = 	snop  }
0x3b: {  	_ = 	snop  }
0x3c: {  	p2 =	seq.s32 s10, $0x1;
	s10 =	sld [smem:$0x3FBA]  }
0x3d: {  	_ =	shalt  }
0x3e: {  	_ =	shalt  }
0x3f: {  	_ =	shalt  }
0x40: {  	_ =	shalt  }
0x41: {  	_ =	shalt  }
0x42: {  	_ =	shalt  }
0x43: {  	_ =	shalt  }
0x44: {  	_ =	shalt  }
0x45: {  	_ =	shalt  }
0x46: {  	_ =	shalt  }
0x47: {  	_ =	shalt  }
0x48: {  	_ =	shalt  }
0x49: {  	_ =	shalt  }
0x4a: {  	_ =	shalt  }
0x4b: {  	_ =	shalt  }
0x4c: {  	_ =	shalt  }
0x4d: {  	_ =	shalt  }
0x4e: {  	_ =	shalt  }
0x4f: {  	_ =	shalt  }
0x50: {  	_ =	shalt  }
0x51: {  	_ =	shalt  }
0x52: {  	_ =	shalt  }
0x53: {  	_ =	shalt  }
0x54: {  	_ =	shalt  }
0x55: {  	_ =	shalt  }
0x56: {  	_ =	shalt  }
0x57: {  	_ =	shalt  }
0x58: {  	_ =	shalt  }
0x59: {  	_ =	shalt  }
0x5a: {  	_ =	shalt  }
0x5b: {  	_ =	shalt  }
0x5c: {  	_ =	shalt  }
0x5d: {  	_ =	shalt  }
0x5e: {  	_ =	shalt  }
0x5f: {  	_ =	shalt  }
0x60: {  	_ =	shalt  }
0x61: {  	_ =	shalt  }
0x62: {  	_ =	shalt  }
0x63: {  	_ =	shalt  }
0x64: {  	_ =	shalt  }
0x65: {  	_ =	shalt  }
0x66: {  	_ =	shalt  }
0x67: {  	_ =	shalt  }
0x68: {  	_ =	shalt  }
0x69: {  	_ =	shalt  }
0x6a: {  	_ =	shalt  }
0x6b: {  	_ =	shalt  }
0x6c: {  	_ =	shalt  }
0x6d: {  	_ =	shalt  }
0x6e: {  	_ =	shalt  }
0x6f: {  	_ =	shalt  }
0x70: {  	_ =	shalt  }
0x71: {  	_ =	shalt  }
0x72: {  	_ =	shalt  }
0x73: {  	_ =	shalt  }
0x74: {  	_ =	shalt  }
0x75: {  	_ =	shalt  }
0x76: {  	_ =	shalt  }
0x77: {  	_ =	shalt  }
0x78: {  	_ =	shalt  }
0x79: {  	_ =	shalt  }
0x7a: {  	_ =	shalt  }
0x7b: {  	_ =	shalt  }
0x7c: {  	_ =	shalt  }
0x7d: {  	_ =	shalt  }
0x7e: {  	_ =	shalt  }
0x7f: {  	_ =	shalt  }
0x80: {  	_ =	shalt  }
0x81: {  	_ =	shalt  }
0x82: {  	_ =	shalt  }
0x83: {  	_ =	shalt  }
0x84: {  	_ =	shalt  }
0x85: {  	_ =	shalt  }
0x86: {  	_ =	shalt  }
0x87: {  	_ =	shalt  }
.Lfunc_end0:
.L_simem_size_0:
called_computation_lowered:
.L_overlay_start_0:
0x88: {  	s2 =	sld [smem:$0x3FD9]  }
0x89: {  	s3 =	sld [smem:$0x3FFE];
	_ =	sdelay $0x1  }
0x8a: {  	s1 =	srdreg.scid  }
0x8b: {  	s0 =	sand.u32 $0x1, s1  }
0x8c: {  	s14 =	sshll.u32 s0, $0xA;
	s2 =	sadd.s32 s3, s2  }
0x8d: {  	s2 =	sadd.s32 s2, s14  }
0x8e: {  	[smem:$0x3FC6] =	sst s2  }
0x8f: {  	_ = 	snop  }
0x90: {  	s2 =	sld [smem:$0x3FD0];
	_ =	sdelay $0x2  }
0x91: {  	s15 =	simm.s32 $0xA;
	s4 =	simm.s32 $0x10  }
0x92: {  	[smem:s4], [sflag:s15] =	dma.local [hbm:s2], $0x1  }
0x93: {  	_ =	swait.eq [sflag:s15], $0x1  }
0x94: {  	[sflag:s15] =	ssyncset.done $0x0  }
0x95: {  	[sflag:s15] =	ssyncadd.s32 $0xFFFFFFFF  }
0x96: {  	s16 =	sld [smem:$0x10];
	(tm) =	ssettm $0x1  }
0x97: {  	s17 =	sld [smem:$0x3FFB];
	_ =	sdelay $0x3  }
0x98: {  	_ =	strace s17  }
0x99: {  	s3 =	sld [smem:$0x3FFC];
	_ =	sdelay $0x3  }
0x9a: {  	_ =	strace s3  }
0x9b: {  	s3 =	sld [smem:$0x3FFD];
	_ =	sdelay $0x3  }
0x9c: {  	_ =	strace s3  }
0x9d: {  	_ =	strace $0x8FFFFFFF  }
0x9e: {  	s18 =	sld [smem:$0x3FDB];
	_ =	sdelay $0x1  }
0x9f: {  	s19 =	simm.s32 $_scs_section_size  }
0xa0: {  	s5 =	simm.s32 $_size__tile_overlayer_lowered;
	s6 =	simm.s32 $_tile_overlayer_lowered  }
0xa1: {  	s22 =	simm.s32 $0x1BFF;
	s21 =	sshll.u32 s6, $0x1;
	s3 =	sadd.s32 s19, s18  }
0xa2: {  	s7 =	simm.s32 $0x0;
	s20 =	sshll.u32 s5, $0x1;
	s5 =	sadd.s32 s21, s3  }
0xa3: {  	[timem:s7], [sflag:s22] =	dma.local [hbm:s5], s20  }
0xa4: {  	_ =	swait.ge [sflag:s22], s20  }
0xa5: {  	s4 =	ssub.s32 $0x0, s20;
	[sflag:s22] =	ssyncset.done $0x0  }
0xa6: {  	[sflag:s22] =	ssyncadd.s32 s4;
	_ =	sdelay $0x1  }
0xa7: {  	s23 =	simm.s32 $0x1B8B  }
0xa8: {  	_ =	swait.ge [sflag:s23], $0x1  }
0xa9: {  	[sflag:s23] =	ssyncset.done $0x0  }
0xaa: {  	s25 =	simm.s32 $0x1B8E;
	s24 =	sld [smem:$0x3FFE];
	[sflag:s23] =	ssyncadd.s32 $0xFFFFFFFF  }
0xab: {  	s26 =	simm.s32 $execute0_lowered;
	[smem:$0x3FD2] =	sst s25  }
0xac: {  	s5 =	sshll.u32 s26, $0x1;
	_ =	strace $0x80000046;
	[dreg:$0x1] =	wrdreg $0xFFFFFFFF  }
0xad: {  	s28 =	simm.s32 $_size_execute0_lowered;
	s3 =	sadd.s32 s3, s5;
	[dreg:$0x0] =	wrdreg $0x0  }
0xae: {  	s5 =	sshll.u32 s28, $0x1;
	[dreg:$0x2] =	wrdreg s3  }
0xaf: {  	[dreg:$0x3] =	wrdreg s5  }
0xb0: {  	[dreg:$0x4] =	wrdreg $0xC0  }
0xb1: {  	_ =	task [dreg:s7], $0x5FFFF  }
0xb2: {  	[dreg:$0x1] =	wrdreg $0xFFFFFFFF  }
0xb3: {  	[dreg:$0x0] =	wrdreg $0x60  }
0xb4: {  	[dreg:$0x2] =	wrdreg s16  }
0xb5: {  	[dreg:$0x3] =	wrdreg s24  }
0xb6: {  	[dreg:$0x4] =	wrdreg $0x9  }
0xb7: {  	_ =	task.clear_ibuf [dreg:s7], $0x5FFFF;
	_ =	strace $0x90000046  }
0xb8: {  	s29 =	simm.s32 $0x9;
	_ =	strace $0x80000048  }
0xb9: {  	_ =	swait.ge [sflag:s29], $0x1  }
0xba: {  	[sflag:s29] =	ssyncadd.s32 $0xFFFFFFFF  }
0xbb: {  	_ =	strace $0x90000048  }
0xbc: {  	_ =	sfence  }
0xbd: {  	s30 =	sld [smem:$0x0];
	_ =	sdelay $0x2  }
0xbe: {  	s31 =	sshll.u32 s1, $0xD;
	s1 =	sshrl.u32 s1, $0x2  }
0xbf: {  	s3 =	sand.u32 $0x4000, s31;
	s1 =	sadd.s32 s1, s30  }
0xc0: {  	s0 =	sor.u32 s3, s0;
	s1 =	sshll.u32 s1, $0x11  }
0xc1: {  	s0 =	sor.u32 s1, s0  }
0xc2: {  	s0 =	sadd.s32 $0x8F2B, s0  }
0xc3: {  	[sflag:s0] =	ssyncadd.remote.s32 $0x1  }
0xc4: {  	_ =	sfence.sel $0xFFFF  }
0xc5: {  	[dreg:$0x0] =	wrdreg $0xFFFFFFFF;
	(pc) =	sbr.abs _section_cstart, $3  }
0xc6: {  	[dreg:$0x1] =	wrdreg $0xFFFFFFFF  }
0xc7: {  	_ =	task.clear_ibuf [dreg:s7], $0x2FFFF;
	_ =	strace $0x9FFFFFFF  }
0xc8: {  	(tm) =	ssettm $0x7FFFFFFF  }
0xc9: {  	_ =	shalt  }
tec
execute0_lowered:
.L_overlay_start_1:
0x0: {  	(tag) =	ssettag $0x1  }
0x1: {  	s2 =	rddreg [dreg:$0x0]  }
0x2: {  	s1 =	srdreg.scid;
	s0 =	stileid.u32  }
0x3: {  	s4 =	rddreg [dreg:$0x1];
	s3 =	simm.s32 $0x0;
	s11 =	simm.s32 $0x80  }
0x4: {  	s12 =	simm.s32 $0x200;
	s13 =	simm.s32 $0x4200;
	s14 =	simm.s32 $0x1  }
0x5: {  	s15 =	simm.s32 $0x100;
	s16 =	simm.s32 $0x2;
	s17 =	simm.s32 $0x180  }
0x6: {  	s18 =	simm.s32 $0xC200;
	s19 =	simm.s32 $0x10200;
	s20 =	simm.s32 $0x0  }
0x7: {  	s5 =	sand.u32 $0x1, s1;
	s6 =	sshll.u32 s0, $0x1;
	s1 =	rddreg [dreg:$0x2]  }
0x8: {  	[smem:$0x7FF] =	sst s3;
	s9 =	sshll.u32 s0, $0x7;
	s6 =	sor.u32 s5, s6  }
0x9: {  	s7 =	sshll.u32 s5, $0x6;
	_ =	strace $0x80000047;
	s5 =	ssub.s32 $0x2, s5  }
0xa: {  	s8 =	sshll.u32 s6, $0xB;
	s7 =	sadd.s32 s7, s4;
	s6 =	sshll.u32 s6, $0x4  }
0xb: {  	s29 =	sshrl.u32 s5, $0x1;
	s8 =	sadd.s32 s8, s4;
	s10 =	sadd.s32 s6, s4  }
0xc: {  	s30 =	sadd.s32 s9, s7;
	s31 =	ssub.s32 s5, s29;
	s9 =	simm.s32 $0x3  }
0xd: {  	s4 =	sadd.s32 $0x10C00, s30;
	s5 =	sadd.s32 $0xC00, s8;
	s6 =	sadd.s32 $0x11600, s8  }
0xe: {  	s7 =	sadd.s32 $0x11400, s10;
	s8 =	smax.u32 s31, $0x1;
	s10 =	simm.s32 $0x8200  }
.LBB2_1:
0xf: {  	[tilespmem:s3], [sflag:$0x3] =	stream.linear.gather [hbm4b:s4+s3], $0x200, $0x38;
	[tilespmem:$0x10280] =	vst v63  }
0x10: {  	_ =	swait.ge [sflag:s9], $0x200  }
0x11: {  	[sflag:s9] =	ssyncset.done $0x0  }
0x12: {  	[sflag:s9] =	ssyncadd.s32 $0xFFFFFE00  }
0x13: {  	[tilespmem:s10], [sflag:$0x3] =	stream.linear.gather [hbm4b:s5+s3], $0x4000, $0x38;
	[tilespmem:$0x10280] =	vst v63  }
0x14: {  	_ =	swait.ge [sflag:s9], $0x4000  }
0x15: {  	[sflag:s9] =	ssyncset.done $0x0  }
0x16: {  	[sflag:s9] =	ssyncadd.s32 $0xFFFFC000  }
0x17: {  	[tilespmem:s12], [sflag:$0x1] =	stream.indirect.gather [hbm4b:s2+s11], $0x80, s3, s11, $0xb8;
	[tilespmem:$0x10280] =	vst v63  }
0x18: {  	_ = 	snop  }
0x19: {  	[tilespmem:s13], [sflag:$0x2] =	stream.indirect.gather [hbm4b:s2+s11], $0x80, s11, s11, $0xb8;
	[tilespmem:$0x10280] =	vst v63  }
0x1a: {  	_ =	swait.ge [sflag:s14], $0x4000  }
0x1b: {  	[sflag:s14] =	ssyncset.done $0x0  }
0x1c: {  	s21 =	simm.s32 $0x0;
	[sflag:s14] =	ssyncadd.s32 $0xFFFFC000  }
0x1d: {  	v0 =	vimm.f32 $0.0e+00;
	s22 =	simm.s32 $0x300;
	s23 =	simm.s32 $0x200;
	v1 =	vld [tilespmem:s21+$0x8200]  }
.LBB2_2:
0x1e: {  	p0 =	sne.s32 s23, $0x3E00;
	v2 =	vld [tilespmem:s22+$0xFFFFFF00];
	_ =	sdelay $0x4  }
0x1f: {  	v2 =	vsub.f32 v2, v1;
	_ =	sdelay $0x1  }
0x20: {  	v1 =	vsub.f32 v1, v2;
	v2 =	vmul.f32 v2, v2;
	_ =	sdelay $0x1  }
0x21: {  	[tilespmem:s21+$0xC200] =	vst v1;
	v0 =	vadd.f32 v2, v0;
	v1 =	vld [tilespmem:s21+$0x8210]  }
0x22: {  	v2 =	vld [tilespmem:s22+$0xFFFFFF10];
	_ =	sdelay $0x4  }
0x23: {  	v2 =	vsub.f32 v2, v1;
	_ =	sdelay $0x1  }
0x24: {  	v1 =	vsub.f32 v1, v2;
	v2 =	vmul.f32 v2, v2;
	_ =	sdelay $0x1  }
0x25: {  	[tilespmem:s21+$0xC210] =	vst v1;
	v0 =	vadd.f32 v2, v0;
	v1 =	vld [tilespmem:s21+$0x8220]  }
0x26: {  	v2 =	vld [tilespmem:s22+$0xFFFFFF80];
	_ =	sdelay $0x4  }
0x27: {  	v2 =	vsub.f32 v2, v1;
	_ =	sdelay $0x1  }
0x28: {  	v1 =	vsub.f32 v1, v2;
	v2 =	vmul.f32 v2, v2;
	_ =	sdelay $0x1  }
0x29: {  	[tilespmem:s21+$0xC220] =	vst v1;
	v0 =	vadd.f32 v2, v0;
	v1 =	vld [tilespmem:s21+$0x8230]  }
0x2a: {  	v2 =	vld [tilespmem:s22+$0xFFFFFF90];
	_ =	sdelay $0x4  }
0x2b: {  	v2 =	vsub.f32 v2, v1;
	_ =	sdelay $0x1  }
0x2c: {  	v1 =	vsub.f32 v1, v2;
	v2 =	vmul.f32 v2, v2;
	_ =	sdelay $0x1  }
0x2d: {  	[tilespmem:s21+$0xC230] =	vst v1;
	v0 =	vadd.f32 v2, v0;
	v1 =	vld [tilespmem:s21+$0x8240]  }
0x2e: {  	v2 =	vld [tilespmem:s22+$0x0];
	_ =	sdelay $0x4  }
0x2f: {  	v2 =	vsub.f32 v2, v1;
	_ =	sdelay $0x1  }
0x30: {  	v1 =	vsub.f32 v1, v2;
	v2 =	vmul.f32 v2, v2;
	_ =	sdelay $0x1  }
0x31: {  	[tilespmem:s21+$0xC240] =	vst v1;
	v0 =	vadd.f32 v2, v0;
	v1 =	vld [tilespmem:s21+$0x8250]  }
0x32: {  	v2 =	vld [tilespmem:s22+$0x10];
	_ =	sdelay $0x4  }
0x33: {  	v2 =	vsub.f32 v2, v1;
	_ =	sdelay $0x1  }
0x34: {  	v1 =	vsub.f32 v1, v2;
	v2 =	vmul.f32 v2, v2;
	_ =	sdelay $0x1  }
0x35: {  	[tilespmem:s21+$0xC250] =	vst v1;
	v0 =	vadd.f32 v2, v0;
	v1 =	vld [tilespmem:s21+$0x8260]  }
0x36: {  	v2 =	vld [tilespmem:s22+$0x80];
	_ =	sdelay $0x4  }
0x37: {  	v2 =	vsub.f32 v2, v1;
	_ =	sdelay $0x1  }
0x38: {  	v1 =	vsub.f32 v1, v2;
	v2 =	vmul.f32 v2, v2;
	_ =	sdelay $0x1  }
0x39: {  	[tilespmem:s21+$0xC260] =	vst v1;
	v0 =	vadd.f32 v2, v0;
	v1 =	vld [tilespmem:s21+$0x8270]  }
0x3a: {  	v2 =	vld [tilespmem:s22+$0x90];
	_ =	sdelay $0x4  }
.Ltmp0:
0x3b: {  	v2 =	vsub.f32 v2, v1;
	(pc) =	sbr.rel @p0 .LBB2_2-.Ltmp0, $4  }
0x3c: {  	_ = 	snop  }
0x3d: {  	v3 =	vsub.f32 v1, v2;
	v2 =	vmul.f32 v2, v2  }
0x3e: {  	s24 =	sshra.s32 s23, $0x2  }
0x3f: {  	s23 =	sadd.s32 $0x200, s23;
	s22 =	sadd.s32 $0x200, s22;
	v1 =	vld [tilespmem:s24+$0x8200];
	[tilespmem:s21+$0xC270] =	vst v3;
	v0 =	vadd.f32 v2, v0;
	s21 =	smov.u32 s24  }
0x40: {  	v2 =	vld [tilespmem:s22+$0xFFFFFF00];
	_ =	sdelay $0x4  }
0x41: {  	v2 =	vsub.f32 v2, v1;
	_ =	sdelay $0x1  }
0x42: {  	v1 =	vsub.f32 v1, v2;
	_ =	sdelay $0x1  }
0x43: {  	[tilespmem:s21+$0xC200] =	vst v1;
	v1 =	vld [tilespmem:s21+$0x8210]  }
0x44: {  	v3 =	vld [tilespmem:s22+$0xFFFFFF10];
	_ =	sdelay $0x4  }
0x45: {  	v3 =	vsub.f32 v3, v1;
	_ =	sdelay $0x1  }
0x46: {  	v1 =	vsub.f32 v1, v3;
	_ =	sdelay $0x1  }
0x47: {  	[tilespmem:s21+$0xC210] =	vst v1;
	v1 =	vld [tilespmem:s21+$0x8220]  }
0x48: {  	v4 =	vld [tilespmem:s22+$0xFFFFFF80];
	_ =	sdelay $0x4  }
0x49: {  	v4 =	vsub.f32 v4, v1;
	_ =	sdelay $0x1  }
0x4a: {  	v1 =	vsub.f32 v1, v4;
	_ =	sdelay $0x1  }
0x4b: {  	[tilespmem:s21+$0xC220] =	vst v1;
	v1 =	vld [tilespmem:s21+$0x8230]  }
0x4c: {  	v5 =	vld [tilespmem:s22+$0xFFFFFF90];
	_ =	sdelay $0x4  }
0x4d: {  	v5 =	vsub.f32 v5, v1;
	_ =	sdelay $0x1  }
0x4e: {  	v1 =	vsub.f32 v1, v5;
	_ =	sdelay $0x1  }
0x4f: {  	[tilespmem:s21+$0xC230] =	vst v1;
	v1 =	vld [tilespmem:s21+$0x8240]  }
0x50: {  	v6 =	vld [tilespmem:s22+$0x0];
	_ =	sdelay $0x4  }
0x51: {  	v6 =	vsub.f32 v6, v1;
	_ =	sdelay $0x1  }
0x52: {  	v1 =	vsub.f32 v1, v6;
	_ =	sdelay $0x1  }
0x53: {  	[tilespmem:s21+$0xC240] =	vst v1;
	v1 =	vld [tilespmem:s21+$0x8250]  }
0x54: {  	v7 =	vld [tilespmem:s22+$0x10];
	_ =	sdelay $0x4  }
0x55: {  	v7 =	vsub.f32 v7, v1;
	_ =	sdelay $0x1  }
0x56: {  	v1 =	vsub.f32 v1, v7;
	_ =	sdelay $0x1  }
0x57: {  	[tilespmem:s21+$0xC250] =	vst v1;
	v1 =	vld [tilespmem:s21+$0x8260]  }
0x58: {  	v8 =	vld [tilespmem:s22+$0x80];
	_ =	sdelay $0x4  }
0x59: {  	v8 =	vsub.f32 v8, v1;
	_ =	sdelay $0x1  }
0x5a: {  	v1 =	vsub.f32 v1, v8;
	_ =	sdelay $0x1  }
0x5b: {  	[tilespmem:s21+$0xC260] =	vst v1;
	v1 =	vld [tilespmem:s21+$0x8270]  }
0x5c: {  	v9 =	vld [tilespmem:s22+$0x90];
	_ =	sdelay $0x4  }
0x5d: {  	v9 =	vsub.f32 v9, v1;
	_ =	sdelay $0x1  }
0x5e: {  	v1 =	vsub.f32 v1, v9;
	_ =	sdelay $0x1  }
0x5f: {  	[tilespmem:s21+$0xC270] =	vst v1  }
0x60: {  	[tilespmem:s12], [sflag:$0x1] =	stream.indirect.gather [hbm4b:s2+s11], $0x80, s15, s11, $0xb8;
	[tilespmem:$0x10280] =	vst v63  }
0x61: {  	_ =	swait.ge [sflag:s16], $0x4000  }
0x62: {  	[sflag:s16] =	ssyncset.done $0x0  }
0x63: {  	s21 =	simm.s32 $0x9270;
	[sflag:s16] =	ssyncadd.s32 $0xFFFFC000  }
0x64: {  	s23 =	simm.s32 $0x0;
	v1 =	vld [tilespmem:s21+$0xFFFFFF90]  }
0x65: {  	v10 =	vld [tilespmem:s23+$0x4200];
	_ =	sdelay $0x4  }
0x66: {  	v10 =	vsub.f32 v10, v1;
	_ =	sdelay $0x1  }
0x67: {  	v1 =	vsub.f32 v1, v10  }
0x68: {  	s22 =	simm.s32 $0xD270  }
0x69: {  	[tilespmem:s22+$0xFFFFFF90] =	vst v1  }
0x6a: {  	v1 =	vld [tilespmem:s23+$0x4210]  }
0x6b: {  	v11 =	vld [tilespmem:s21+$0xFFFFFFA0];
	_ =	sdelay $0x4  }
0x6c: {  	v1 =	vsub.f32 v1, v11;
	_ =	sdelay $0x1  }
0x6d: {  	v11 =	vsub.f32 v11, v1;
	_ =	sdelay $0x1  }
0x6e: {  	[tilespmem:s22+$0xFFFFFFA0] =	vst v11  }
0x6f: {  	v11 =	vld [tilespmem:s23+$0x4280]  }
0x70: {  	v12 =	vld [tilespmem:s21+$0xFFFFFFB0];
	_ =	sdelay $0x4  }
0x71: {  	v11 =	vsub.f32 v11, v12;
	_ =	sdelay $0x1  }
0x72: {  	v12 =	vsub.f32 v12, v11;
	_ =	sdelay $0x1  }
0x73: {  	[tilespmem:s22+$0xFFFFFFB0] =	vst v12  }
0x74: {  	v12 =	vld [tilespmem:s23+$0x4290]  }
0x75: {  	v13 =	vld [tilespmem:s21+$0xFFFFFFC0];
	_ =	sdelay $0x4  }
0x76: {  	v12 =	vsub.f32 v12, v13;
	_ =	sdelay $0x1  }
0x77: {  	v13 =	vsub.f32 v13, v12;
	_ =	sdelay $0x1  }
0x78: {  	[tilespmem:s22+$0xFFFFFFC0] =	vst v13  }
0x79: {  	v13 =	vld [tilespmem:s23+$0x4300]  }
0x7a: {  	v14 =	vld [tilespmem:s21+$0xFFFFFFD0];
	_ =	sdelay $0x2  }
0x7b: {  	v2 =	vmul.f32 v2, v2;
	_ =	sdelay $0x1  }
0x7c: {  	v0 =	vadd.f32 v2, v0;
	v2 =	vmul.f32 v3, v3;
	v3 =	vsub.f32 v13, v14;
	_ =	sdelay $0x1  }
0x7d: {  	v0 =	vadd.f32 v2, v0;
	v2 =	vmul.f32 v4, v4;
	v60 =	vsub.f32 v14, v3;
	_ =	sdelay $0x1  }
0x7e: {  	v0 =	vadd.f32 v2, v0;
	v2 =	vmul.f32 v5, v5;
	[tilespmem:s22+$0xFFFFFFD0] =	vst v60  }
0x7f: {  	v4 =	vld [tilespmem:s23+$0x4310]  }
0x80: {  	v0 =	vadd.f32 v2, v0;
	v2 =	vmul.f32 v6, v6;
	v61 =	vld [tilespmem:s21+$0xFFFFFFE0];
	_ =	sdelay $0x1  }
0x81: {  	v0 =	vadd.f32 v2, v0;
	v2 =	vmul.f32 v7, v7;
	_ =	sdelay $0x1  }
0x82: {  	v0 =	vadd.f32 v2, v0;
	v2 =	vmul.f32 v8, v8  }
0x83: {  	v4 =	vsub.f32 v4, v61  }
0x84: {  	v0 =	vadd.f32 v2, v0;
	v2 =	vmul.f32 v9, v9  }
0x85: {  	v5 =	vsub.f32 v61, v4  }
0x86: {  	v0 =	vadd.f32 v2, v0;
	v2 =	vmul.f32 v10, v10  }
0x87: {  	[tilespmem:s22+$0xFFFFFFE0] =	vst v5  }
0x88: {  	v0 =	vadd.f32 v2, v0;
	v1 =	vmul.f32 v1, v1;
	v2 =	vld [tilespmem:s23+$0x4380]  }
0x89: {  	v5 =	vld [tilespmem:s21+$0xFFFFFFF0]  }
0x8a: {  	v0 =	vadd.f32 v1, v0;
	v62 =	vmul.f32 v11, v11;
	_ =	sdelay $0x1  }
0x8b: {  	v0 =	vadd.f32 v62, v0;
	v1 =	vmul.f32 v12, v12;
	_ =	sdelay $0x1  }
0x8c: {  	v0 =	vadd.f32 v1, v0;
	v3 =	vmul.f32 v3, v3;
	v1 =	vsub.f32 v2, v5;
	_ =	sdelay $0x1  }
0x8d: {  	v0 =	vadd.f32 v3, v0;
	v2 =	vmul.f32 v4, v4;
	v3 =	vsub.f32 v5, v1;
	_ =	sdelay $0x1  }
0x8e: {  	v63 =	vmul.f32 v1, v1;
	v0 =	vadd.f32 v2, v0;
	[tilespmem:s22+$0xFFFFFFF0] =	vst v3  }
0x8f: {  	v1 =	vld [tilespmem:s23+$0x4390]  }
0x90: {  	s24 =	simm.s32 $0xD270;
	v0 =	vadd.f32 v63, v0;
	s23 =	simm.s32 $0x800;
	v2 =	vld [tilespmem:s21+$0x0]  }
.LBB2_4:
0x91: {  	_ = 	snop  }
0x92: {  	p0 =	sne.s32 s23, $0xF800;
	s22 =	sadd.s32 $0x80, s22;
	s21 =	sadd.s32 $0x80, s21  }
0x93: {  	s25 =	smov.u32 s23;
	s23 =	sadd.s32 $0x800, s23;
	_ =	sdelay $0x1  }
0x94: {  	v1 =	vsub.f32 v1, v2;
	_ =	sdelay $0x1  }
0x95: {  	v2 =	vsub.f32 v2, v1;
	v1 =	vmul.f32 v1, v1;
	_ =	sdelay $0x1  }
0x96: {  	[tilespmem:s24+$0x0] =	vst v2;
	v0 =	vadd.f32 v1, v0;
	s24 =	smov.u32 s22  }
0x97: {  	s25 =	sshra.s32 s25, $0x2;
	v1 =	vld [tilespmem:s21+$0xFFFFFF90]  }
0x98: {  	v2 =	vld [tilespmem:s25+$0x4200];
	_ =	sdelay $0x4  }
0x99: {  	v2 =	vsub.f32 v2, v1;
	_ =	sdelay $0x1  }
0x9a: {  	v1 =	vsub.f32 v1, v2;
	v2 =	vmul.f32 v2, v2;
	_ =	sdelay $0x1  }
0x9b: {  	[tilespmem:s22+$0xFFFFFF90] =	vst v1  }
0x9c: {  	v1 =	vld [tilespmem:s25+$0x4210]  }
0x9d: {  	v3 =	vld [tilespmem:s21+$0xFFFFFFA0];
	_ =	sdelay $0x4  }
0x9e: {  	v1 =	vsub.f32 v1, v3;
	_ =	sdelay $0x1  }
0x9f: {  	v3 =	vsub.f32 v3, v1;
	v1 =	vmul.f32 v1, v1;
	_ =	sdelay $0x1  }
0xa0: {  	[tilespmem:s22+$0xFFFFFFA0] =	vst v3  }
0xa1: {  	v3 =	vld [tilespmem:s25+$0x4280]  }
0xa2: {  	v4 =	vld [tilespmem:s21+$0xFFFFFFB0];
	_ =	sdelay $0x4  }
0xa3: {  	v3 =	vsub.f32 v3, v4;
	_ =	sdelay $0x1  }
0xa4: {  	v4 =	vsub.f32 v4, v3;
	v3 =	vmul.f32 v3, v3;
	_ =	sdelay $0x1  }
0xa5: {  	[tilespmem:s22+$0xFFFFFFB0] =	vst v4  }
0xa6: {  	v4 =	vld [tilespmem:s25+$0x4290]  }
0xa7: {  	v5 =	vld [tilespmem:s21+$0xFFFFFFC0];
	_ =	sdelay $0x4  }
0xa8: {  	v4 =	vsub.f32 v4, v5;
	_ =	sdelay $0x1  }
0xa9: {  	v5 =	vsub.f32 v5, v4;
	v4 =	vmul.f32 v4, v4;
	_ =	sdelay $0x1  }
0xaa: {  	[tilespmem:s22+$0xFFFFFFC0] =	vst v5  }
0xab: {  	v5 =	vld [tilespmem:s25+$0x4300]  }
0xac: {  	v6 =	vld [tilespmem:s21+$0xFFFFFFD0];
	_ =	sdelay $0x4  }
0xad: {  	v5 =	vsub.f32 v5, v6;
	_ =	sdelay $0x1  }
0xae: {  	v6 =	vsub.f32 v6, v5;
	v5 =	vmul.f32 v5, v5;
	_ =	sdelay $0x1  }
0xaf: {  	[tilespmem:s22+$0xFFFFFFD0] =	vst v6  }
0xb0: {  	v6 =	vld [tilespmem:s25+$0x4310]  }
0xb1: {  	v7 =	vld [tilespmem:s21+$0xFFFFFFE0];
	_ =	sdelay $0x4  }
0xb2: {  	v6 =	vsub.f32 v6, v7;
	_ =	sdelay $0x1  }
0xb3: {  	v7 =	vsub.f32 v7, v6;
	v6 =	vmul.f32 v6, v6;
	_ =	sdelay $0x1  }
0xb4: {  	[tilespmem:s22+$0xFFFFFFE0] =	vst v7  }
0xb5: {  	v0 =	vadd.f32 v2, v0;
	v2 =	vld [tilespmem:s25+$0x4380]  }
0xb6: {  	v7 =	vld [tilespmem:s21+$0xFFFFFFF0]  }
0xb7: {  	v0 =	vadd.f32 v1, v0;
	_ =	sdelay $0x1  }
0xb8: {  	v0 =	vadd.f32 v3, v0;
	_ =	sdelay $0x1  }
0xb9: {  	v0 =	vadd.f32 v4, v0;
	v1 =	vsub.f32 v2, v7;
	_ =	sdelay $0x1  }
.Ltmp1:
0xba: {  	v0 =	vadd.f32 v5, v0;
	v2 =	vsub.f32 v7, v1;
	v3 =	vmul.f32 v1, v1;
	(pc) =	sbr.rel @p0 .LBB2_4-.Ltmp1, $4  }
0xbb: {  	_ = 	snop  }
0xbc: {  	v0 =	vadd.f32 v6, v0;
	[tilespmem:s22+$0xFFFFFFF0] =	vst v2  }
0xbd: {  	v1 =	vld [tilespmem:s25+$0x4390]  }
0xbe: {  	v0 =	vadd.f32 v3, v0;
	v2 =	vld [tilespmem:s21+$0x0]  }
0xbf: {  	_ =	sdelay $0x3  }
0xc0: {  	v1 =	vsub.f32 v1, v2;
	_ =	sdelay $0x1  }
0xc1: {  	v2 =	vsub.f32 v2, v1;
	_ =	sdelay $0x1  }
0xc2: {  	[tilespmem:s24+$0x0] =	vst v2  }
0xc3: {  	[tilespmem:s13], [sflag:$0x2] =	stream.indirect.gather [hbm4b:s2+s11], $0x80, s17, s11, $0xb8;
	[tilespmem:$0x10280] =	vst v63  }
0xc4: {  	_ =	swait.ge [sflag:s14], $0x4000  }
0xc5: {  	v1 =	vmul.f32 v1, v1;
	[sflag:s14] =	ssyncset.done $0x0  }
0xc6: {  	s21 =	simm.s32 $0x0;
	[sflag:s14] =	ssyncadd.s32 $0xFFFFC000  }
0xc7: {  	s22 =	simm.s32 $0x300;
	s23 =	simm.s32 $0x200;
	v0 =	vadd.f32 v1, v0;
	v1 =	vld [tilespmem:s21+$0xA200]  }
.LBB2_6:
0xc8: {  	p0 =	sne.s32 s23, $0x3E00;
	v2 =	vld [tilespmem:s22+$0xFFFFFF00];
	_ =	sdelay $0x4  }
0xc9: {  	v2 =	vsub.f32 v2, v1;
	_ =	sdelay $0x1  }
0xca: {  	v1 =	vsub.f32 v1, v2;
	v2 =	vmul.f32 v2, v2;
	_ =	sdelay $0x1  }
0xcb: {  	[tilespmem:s21+$0xE200] =	vst v1;
	v0 =	vadd.f32 v2, v0;
	v1 =	vld [tilespmem:s21+$0xA210]  }
0xcc: {  	v2 =	vld [tilespmem:s22+$0xFFFFFF10];
	_ =	sdelay $0x4  }
0xcd: {  	v2 =	vsub.f32 v2, v1;
	_ =	sdelay $0x1  }
0xce: {  	v1 =	vsub.f32 v1, v2;
	v2 =	vmul.f32 v2, v2;
	_ =	sdelay $0x1  }
0xcf: {  	[tilespmem:s21+$0xE210] =	vst v1;
	v0 =	vadd.f32 v2, v0;
	v1 =	vld [tilespmem:s21+$0xA220]  }
0xd0: {  	v2 =	vld [tilespmem:s22+$0xFFFFFF80];
	_ =	sdelay $0x4  }
0xd1: {  	v2 =	vsub.f32 v2, v1;
	_ =	sdelay $0x1  }
0xd2: {  	v1 =	vsub.f32 v1, v2;
	v2 =	vmul.f32 v2, v2;
	_ =	sdelay $0x1  }
0xd3: {  	[tilespmem:s21+$0xE220] =	vst v1;
	v0 =	vadd.f32 v2, v0;
	v1 =	vld [tilespmem:s21+$0xA230]  }
0xd4: {  	v2 =	vld [tilespmem:s22+$0xFFFFFF90];
	_ =	sdelay $0x4  }
0xd5: {  	v2 =	vsub.f32 v2, v1;
	_ =	sdelay $0x1  }
0xd6: {  	v1 =	vsub.f32 v1, v2;
	v2 =	vmul.f32 v2, v2;
	_ =	sdelay $0x1  }
0xd7: {  	[tilespmem:s21+$0xE230] =	vst v1;
	v0 =	vadd.f32 v2, v0;
	v1 =	vld [tilespmem:s21+$0xA240]  }
0xd8: {  	v2 =	vld [tilespmem:s22+$0x0];
	_ =	sdelay $0x4  }
0xd9: {  	v2 =	vsub.f32 v2, v1;
	_ =	sdelay $0x1  }
0xda: {  	v1 =	vsub.f32 v1, v2;
	v2 =	vmul.f32 v2, v2;
	_ =	sdelay $0x1  }
0xdb: {  	[tilespmem:s21+$0xE240] =	vst v1;
	v0 =	vadd.f32 v2, v0;
	v1 =	vld [tilespmem:s21+$0xA250]  }
0xdc: {  	v2 =	vld [tilespmem:s22+$0x10];
	_ =	sdelay $0x4  }
0xdd: {  	v2 =	vsub.f32 v2, v1;
	_ =	sdelay $0x1  }
0xde: {  	v1 =	vsub.f32 v1, v2;
	v2 =	vmul.f32 v2, v2;
	_ =	sdelay $0x1  }
0xdf: {  	[tilespmem:s21+$0xE250] =	vst v1;
	v0 =	vadd.f32 v2, v0;
	v1 =	vld [tilespmem:s21+$0xA260]  }
0xe0: {  	v2 =	vld [tilespmem:s22+$0x80];
	_ =	sdelay $0x4  }
0xe1: {  	v2 =	vsub.f32 v2, v1;
	_ =	sdelay $0x1  }
0xe2: {  	v1 =	vsub.f32 v1, v2;
	v2 =	vmul.f32 v2, v2;
	_ =	sdelay $0x1  }
0xe3: {  	[tilespmem:s21+$0xE260] =	vst v1;
	v0 =	vadd.f32 v2, v0;
	v1 =	vld [tilespmem:s21+$0xA270]  }
0xe4: {  	v2 =	vld [tilespmem:s22+$0x90];
	_ =	sdelay $0x4  }
.Ltmp2:
0xe5: {  	v2 =	vsub.f32 v2, v1;
	(pc) =	sbr.rel @p0 .LBB2_6-.Ltmp2, $4  }
0xe6: {  	_ = 	snop  }
0xe7: {  	v3 =	vsub.f32 v1, v2;
	v2 =	vmul.f32 v2, v2  }
0xe8: {  	s24 =	sshra.s32 s23, $0x2  }
0xe9: {  	s23 =	sadd.s32 $0x200, s23;
	s22 =	sadd.s32 $0x200, s22;
	v1 =	vld [tilespmem:s24+$0xA200];
	[tilespmem:s21+$0xE270] =	vst v3;
	v0 =	vadd.f32 v2, v0;
	s21 =	smov.u32 s24  }
0xea: {  	v2 =	vld [tilespmem:s22+$0xFFFFFF00];
	_ =	sdelay $0x4  }
0xeb: {  	v2 =	vsub.f32 v2, v1;
	_ =	sdelay $0x1  }
0xec: {  	v1 =	vsub.f32 v1, v2;
	_ =	sdelay $0x1  }
0xed: {  	[tilespmem:s21+$0xE200] =	vst v1;
	v1 =	vld [tilespmem:s21+$0xA210]  }
0xee: {  	v3 =	vld [tilespmem:s22+$0xFFFFFF10];
	_ =	sdelay $0x4  }
0xef: {  	v3 =	vsub.f32 v3, v1;
	_ =	sdelay $0x1  }
0xf0: {  	v1 =	vsub.f32 v1, v3;
	_ =	sdelay $0x1  }
0xf1: {  	[tilespmem:s21+$0xE210] =	vst v1;
	v1 =	vld [tilespmem:s21+$0xA220]  }
0xf2: {  	v4 =	vld [tilespmem:s22+$0xFFFFFF80];
	_ =	sdelay $0x4  }
0xf3: {  	v4 =	vsub.f32 v4, v1;
	_ =	sdelay $0x1  }
0xf4: {  	v1 =	vsub.f32 v1, v4;
	_ =	sdelay $0x1  }
0xf5: {  	[tilespmem:s21+$0xE220] =	vst v1;
	v1 =	vld [tilespmem:s21+$0xA230]  }
0xf6: {  	v5 =	vld [tilespmem:s22+$0xFFFFFF90];
	_ =	sdelay $0x4  }
0xf7: {  	v5 =	vsub.f32 v5, v1;
	_ =	sdelay $0x1  }
0xf8: {  	v1 =	vsub.f32 v1, v5;
	_ =	sdelay $0x1  }
0xf9: {  	[tilespmem:s21+$0xE230] =	vst v1;
	v1 =	vld [tilespmem:s21+$0xA240]  }
0xfa: {  	v6 =	vld [tilespmem:s22+$0x0];
	_ =	sdelay $0x4  }
0xfb: {  	v6 =	vsub.f32 v6, v1;
	_ =	sdelay $0x1  }
0xfc: {  	v1 =	vsub.f32 v1, v6;
	_ =	sdelay $0x1  }
0xfd: {  	[tilespmem:s21+$0xE240] =	vst v1;
	v1 =	vld [tilespmem:s21+$0xA250]  }
0xfe: {  	v7 =	vld [tilespmem:s22+$0x10];
	_ =	sdelay $0x4  }
0xff: {  	v7 =	vsub.f32 v7, v1;
	_ =	sdelay $0x1  }
0x100: {  	v1 =	vsub.f32 v1, v7;
	_ =	sdelay $0x1  }
0x101: {  	[tilespmem:s21+$0xE250] =	vst v1;
	v1 =	vld [tilespmem:s21+$0xA260]  }
0x102: {  	v8 =	vld [tilespmem:s22+$0x80];
	_ =	sdelay $0x4  }
0x103: {  	v8 =	vsub.f32 v8, v1;
	_ =	sdelay $0x1  }
0x104: {  	v1 =	vsub.f32 v1, v8;
	_ =	sdelay $0x1  }
0x105: {  	[tilespmem:s21+$0xE260] =	vst v1;
	v1 =	vld [tilespmem:s21+$0xA270]  }
0x106: {  	v9 =	vld [tilespmem:s22+$0x90];
	_ =	sdelay $0x4  }
0x107: {  	v9 =	vsub.f32 v9, v1;
	_ =	sdelay $0x1  }
0x108: {  	v1 =	vsub.f32 v1, v9;
	_ =	sdelay $0x1  }
0x109: {  	[tilespmem:s21+$0xE270] =	vst v1  }
0x10a: {  	_ =	swait.ge [sflag:s16], $0x4000  }
0x10b: {  	[sflag:s16] =	ssyncset.done $0x0  }
0x10c: {  	s21 =	simm.s32 $0xB270;
	[sflag:s16] =	ssyncadd.s32 $0xFFFFC000  }
0x10d: {  	s23 =	simm.s32 $0x0;
	v1 =	vld [tilespmem:s21+$0xFFFFFF90]  }
0x10e: {  	v10 =	vld [tilespmem:s23+$0x4200];
	_ =	sdelay $0x4  }
0x10f: {  	v10 =	vsub.f32 v10, v1;
	_ =	sdelay $0x1  }
0x110: {  	v1 =	vsub.f32 v1, v10  }
0x111: {  	s22 =	simm.s32 $0xF270  }
0x112: {  	[tilespmem:s22+$0xFFFFFF90] =	vst v1  }
0x113: {  	v1 =	vld [tilespmem:s23+$0x4210]  }
0x114: {  	v11 =	vld [tilespmem:s21+$0xFFFFFFA0];
	_ =	sdelay $0x4  }
0x115: {  	v1 =	vsub.f32 v1, v11;
	_ =	sdelay $0x1  }
0x116: {  	v11 =	vsub.f32 v11, v1;
	_ =	sdelay $0x1  }
0x117: {  	[tilespmem:s22+$0xFFFFFFA0] =	vst v11  }
0x118: {  	v11 =	vld [tilespmem:s23+$0x4280]  }
0x119: {  	v12 =	vld [tilespmem:s21+$0xFFFFFFB0];
	_ =	sdelay $0x4  }
0x11a: {  	v11 =	vsub.f32 v11, v12;
	_ =	sdelay $0x1  }
0x11b: {  	v12 =	vsub.f32 v12, v11;
	_ =	sdelay $0x1  }
0x11c: {  	[tilespmem:s22+$0xFFFFFFB0] =	vst v12  }
0x11d: {  	v12 =	vld [tilespmem:s23+$0x4290]  }
0x11e: {  	v13 =	vld [tilespmem:s21+$0xFFFFFFC0];
	_ =	sdelay $0x4  }
0x11f: {  	v12 =	vsub.f32 v12, v13;
	_ =	sdelay $0x1  }
0x120: {  	v13 =	vsub.f32 v13, v12;
	_ =	sdelay $0x1  }
0x121: {  	[tilespmem:s22+$0xFFFFFFC0] =	vst v13  }
0x122: {  	v13 =	vld [tilespmem:s23+$0x4300]  }
0x123: {  	v14 =	vld [tilespmem:s21+$0xFFFFFFD0];
	_ =	sdelay $0x2  }
0x124: {  	v2 =	vmul.f32 v2, v2;
	_ =	sdelay $0x1  }
0x125: {  	v0 =	vadd.f32 v2, v0;
	v2 =	vmul.f32 v3, v3;
	v3 =	vsub.f32 v13, v14;
	_ =	sdelay $0x1  }
0x126: {  	v0 =	vadd.f32 v2, v0;
	v2 =	vmul.f32 v4, v4;
	v60 =	vsub.f32 v14, v3;
	_ =	sdelay $0x1  }
0x127: {  	v0 =	vadd.f32 v2, v0;
	v2 =	vmul.f32 v5, v5;
	[tilespmem:s22+$0xFFFFFFD0] =	vst v60  }
0x128: {  	v4 =	vld [tilespmem:s23+$0x4310]  }
0x129: {  	v0 =	vadd.f32 v2, v0;
	v2 =	vmul.f32 v6, v6;
	v61 =	vld [tilespmem:s21+$0xFFFFFFE0];
	_ =	sdelay $0x1  }
0x12a: {  	v0 =	vadd.f32 v2, v0;
	v2 =	vmul.f32 v7, v7;
	_ =	sdelay $0x1  }
0x12b: {  	v0 =	vadd.f32 v2, v0;
	v2 =	vmul.f32 v8, v8  }
0x12c: {  	v4 =	vsub.f32 v4, v61  }
0x12d: {  	v0 =	vadd.f32 v2, v0;
	v2 =	vmul.f32 v9, v9  }
0x12e: {  	v5 =	vsub.f32 v61, v4  }
0x12f: {  	v0 =	vadd.f32 v2, v0;
	v2 =	vmul.f32 v10, v10  }
0x130: {  	[tilespmem:s22+$0xFFFFFFE0] =	vst v5  }
0x131: {  	v0 =	vadd.f32 v2, v0;
	v1 =	vmul.f32 v1, v1;
	v2 =	vld [tilespmem:s23+$0x4380]  }
0x132: {  	v5 =	vld [tilespmem:s21+$0xFFFFFFF0]  }
0x133: {  	v0 =	vadd.f32 v1, v0;
	v62 =	vmul.f32 v11, v11;
	_ =	sdelay $0x1  }
0x134: {  	v0 =	vadd.f32 v62, v0;
	v1 =	vmul.f32 v12, v12;
	_ =	sdelay $0x1  }
0x135: {  	v0 =	vadd.f32 v1, v0;
	v3 =	vmul.f32 v3, v3;
	v1 =	vsub.f32 v2, v5;
	_ =	sdelay $0x1  }
0x136: {  	v0 =	vadd.f32 v3, v0;
	v2 =	vmul.f32 v4, v4;
	v3 =	vsub.f32 v5, v1;
	_ =	sdelay $0x1  }
0x137: {  	v63 =	vmul.f32 v1, v1;
	v0 =	vadd.f32 v2, v0;
	[tilespmem:s22+$0xFFFFFFF0] =	vst v3  }
0x138: {  	v1 =	vld [tilespmem:s23+$0x4390]  }
0x139: {  	s24 =	simm.s32 $0xF270;
	v0 =	vadd.f32 v63, v0;
	s23 =	simm.s32 $0x800;
	v2 =	vld [tilespmem:s21+$0x0]  }
.LBB2_8:
0x13a: {  	_ = 	snop  }
0x13b: {  	p0 =	sne.s32 s23, $0xF800;
	s22 =	sadd.s32 $0x80, s22;
	s21 =	sadd.s32 $0x80, s21  }
0x13c: {  	s25 =	smov.u32 s23;
	s23 =	sadd.s32 $0x800, s23;
	_ =	sdelay $0x1  }
0x13d: {  	v1 =	vsub.f32 v1, v2;
	_ =	sdelay $0x1  }
0x13e: {  	v2 =	vsub.f32 v2, v1;
	v1 =	vmul.f32 v1, v1;
	_ =	sdelay $0x1  }
0x13f: {  	[tilespmem:s24+$0x0] =	vst v2;
	v0 =	vadd.f32 v1, v0;
	s24 =	smov.u32 s22  }
0x140: {  	s25 =	sshra.s32 s25, $0x2;
	v1 =	vld [tilespmem:s21+$0xFFFFFF90]  }
0x141: {  	v2 =	vld [tilespmem:s25+$0x4200];
	_ =	sdelay $0x4  }
0x142: {  	v2 =	vsub.f32 v2, v1;
	_ =	sdelay $0x1  }
0x143: {  	v1 =	vsub.f32 v1, v2;
	v2 =	vmul.f32 v2, v2;
	_ =	sdelay $0x1  }
0x144: {  	[tilespmem:s22+$0xFFFFFF90] =	vst v1  }
0x145: {  	v1 =	vld [tilespmem:s25+$0x4210]  }
0x146: {  	v3 =	vld [tilespmem:s21+$0xFFFFFFA0];
	_ =	sdelay $0x4  }
0x147: {  	v1 =	vsub.f32 v1, v3;
	_ =	sdelay $0x1  }
0x148: {  	v3 =	vsub.f32 v3, v1;
	v1 =	vmul.f32 v1, v1;
	_ =	sdelay $0x1  }
0x149: {  	[tilespmem:s22+$0xFFFFFFA0] =	vst v3  }
0x14a: {  	v3 =	vld [tilespmem:s25+$0x4280]  }
0x14b: {  	v4 =	vld [tilespmem:s21+$0xFFFFFFB0];
	_ =	sdelay $0x4  }
0x14c: {  	v3 =	vsub.f32 v3, v4;
	_ =	sdelay $0x1  }
0x14d: {  	v4 =	vsub.f32 v4, v3;
	v3 =	vmul.f32 v3, v3;
	_ =	sdelay $0x1  }
0x14e: {  	[tilespmem:s22+$0xFFFFFFB0] =	vst v4  }
0x14f: {  	v4 =	vld [tilespmem:s25+$0x4290]  }
0x150: {  	v5 =	vld [tilespmem:s21+$0xFFFFFFC0];
	_ =	sdelay $0x4  }
0x151: {  	v4 =	vsub.f32 v4, v5;
	_ =	sdelay $0x1  }
0x152: {  	v5 =	vsub.f32 v5, v4;
	v4 =	vmul.f32 v4, v4;
	_ =	sdelay $0x1  }
0x153: {  	[tilespmem:s22+$0xFFFFFFC0] =	vst v5  }
0x154: {  	v5 =	vld [tilespmem:s25+$0x4300]  }
0x155: {  	v6 =	vld [tilespmem:s21+$0xFFFFFFD0];
	_ =	sdelay $0x4  }
0x156: {  	v5 =	vsub.f32 v5, v6;
	_ =	sdelay $0x1  }
0x157: {  	v6 =	vsub.f32 v6, v5;
	v5 =	vmul.f32 v5, v5;
	_ =	sdelay $0x1  }
0x158: {  	[tilespmem:s22+$0xFFFFFFD0] =	vst v6  }
0x159: {  	v6 =	vld [tilespmem:s25+$0x4310]  }
0x15a: {  	v7 =	vld [tilespmem:s21+$0xFFFFFFE0];
	_ =	sdelay $0x4  }
0x15b: {  	v6 =	vsub.f32 v6, v7;
	_ =	sdelay $0x1  }
0x15c: {  	v7 =	vsub.f32 v7, v6;
	v6 =	vmul.f32 v6, v6;
	_ =	sdelay $0x1  }
0x15d: {  	[tilespmem:s22+$0xFFFFFFE0] =	vst v7  }
0x15e: {  	v0 =	vadd.f32 v2, v0;
	v2 =	vld [tilespmem:s25+$0x4380]  }
0x15f: {  	v7 =	vld [tilespmem:s21+$0xFFFFFFF0]  }
0x160: {  	v0 =	vadd.f32 v1, v0;
	_ =	sdelay $0x1  }
0x161: {  	v0 =	vadd.f32 v3, v0;
	_ =	sdelay $0x1  }
0x162: {  	v0 =	vadd.f32 v4, v0;
	v1 =	vsub.f32 v2, v7;
	_ =	sdelay $0x1  }
.Ltmp3:
0x163: {  	v0 =	vadd.f32 v5, v0;
	v2 =	vsub.f32 v7, v1;
	v3 =	vmul.f32 v1, v1;
	(pc) =	sbr.rel @p0 .LBB2_8-.Ltmp3, $4  }
0x164: {  	_ = 	snop  }
0x165: {  	v0 =	vadd.f32 v6, v0;
	[tilespmem:s22+$0xFFFFFFF0] =	vst v2  }
0x166: {  	v1 =	vld [tilespmem:s25+$0x4390]  }
0x167: {  	v0 =	vadd.f32 v3, v0;
	v2 =	vld [tilespmem:s21+$0x0]  }
0x168: {  	_ =	sdelay $0x3  }
0x169: {  	v1 =	vsub.f32 v1, v2;
	_ =	sdelay $0x1  }
0x16a: {  	v2 =	vsub.f32 v2, v1;
	_ =	sdelay $0x1  }
0x16b: {  	[tilespmem:s24+$0x0] =	vst v2  }
0x16c: {  	v1 =	vmul.f32 v1, v1;
	[hbm4b:s6+s3] =	stream.linear.scatter [tilespmem:s18], [sflag:$0x3], $0x4000, $0x38;
	[tilespmem:$0x10280] =	vst v63  }
0x16d: {  	_ =	swait.ge [sflag:s9], $0x4000  }
0x16e: {  	s20 =	sadd.s32 $0x1, s20;
	v0 =	vadd.f32 v1, v0;
	[sflag:s9] =	ssyncset.done $0x0  }
0x16f: {  	p0 =	sne.s32 s20, s8;
	[sflag:s9] =	ssyncadd.s32 $0xFFFFC000  }
.Ltmp4:
0x170: {  	[tilespmem:$0x10200] =	vst v0;
	(pc) =	sbr.rel @p0 .LBB2_1-.Ltmp4, $4  }
0x171: {  	[hbm4b:s7+s3] =	stream.linear.scatter [tilespmem:s19], [sflag:$0x3], $0x80, $0x38;
	[tilespmem:$0x10280] =	vst v63  }
0x172: {  	_ =	swait.ge [sflag:s9], $0x80  }
0x173: {  	[sflag:s9] =	ssyncset.done $0x0  }
0x174: {  	[sflag:s9] =	ssyncadd.s32 $0xFFFFFF80  }
0x175: {  	_ =	sfence.sel $0x180000  }
0x176: {  	[bflag:$0x0] =	sbarrier.arrive $0xFFFF  }
0x177: {  	p0 =	sne.s32 s0, $0x0;
	_ =	strace $0x90000047  }
0x178: {  	s0 =	sadd.s32 @!p0 $0x100000, s1;
	[bflag:$0x2] =	sbarrier.arrive $0xFFFF  }
0x179: {  	[sflag:s0] =	ssyncadd.tile.s32 @!p0 $0x1;
	_ =	shalt  }
.Lfunc_end2:
_tile_overlayer_lowered:
.L_overlay_start_2:
0x17a: {  	(tag) =	ssettag $0x2  }
0x17b: {  	s0 =	rddreg [dreg:$0x0];
	s2 =	stileid.u32  }
0x17c: {  	s1 =	rddreg [dreg:$0x1];
	p0 =	sne.s32 s2, $0x0  }
0x17d: {  	s3 =	rddreg [dreg:$0x2];
	[bflag:$0x3] =	sbarrier.arrive $0xFFFF;
	s2 =	simm.s32 @!p0 $0x1C03  }
0x17e: {  	[timem:s3], [sflag:s2] =	dma.local @!p0 [hbm:s0], s1  }
0x17f: {  	s0 =	simm.s32 @!p0 $0x3  }
0x180: {  	_ =	swait.ge @!p0 [sflag:s0], s1  }
0x181: {  	s1 =	ssub.s32 @!p0 $0x0, s1;
	[sflag:s0] =	ssyncset.done @!p0 $0x0  }
0x182: {  	[sflag:s0] =	ssyncadd.s32 @!p0 s1  }
0x183: {  	[bflag:$0x3] =	sbarrier.arrive $0xFFFF  }
0x184: {  	_ =	shalt  }

</sc_bundles>
